<compile_context>
chip_gen: v7x
topology: tpu7x:2x2x1
jax: 0.10.2.dev20260603
libtpu: 0.0.44.dev20260713+nightly
codegen_flags: <defaults>
</compile_context>

<pallas_src>
import functools

import jax
import jax.numpy as jnp
from jax import lax
from jax.experimental import pallas as pl
from jax.experimental.pallas import tpu as pltpu
from jax.experimental.pallas import tpu_sc as plsc

N_NODES = 10000
N_EDGES = 320000
DIM = 128
NC, NS = 2, 16
NW = NC * NS
PER_W = N_EDGES // NW
CH = 80
NITER = PER_W // CH
N_PAD = 10240
STRIPE = N_PAD // NS
BM = 1000


def _mesh():
    return plsc.VectorSubcoreMesh(
        core_axis_name="c", subcore_axis_name="s", num_cores=NC, num_subcores=NS
    )


def _sc_degree(dst3, ones_rows, zeros_init):

    @functools.partial(
        pl.kernel,
        out_type=jax.ShapeDtypeStruct((NC, N_PAD, DIM), jnp.float32),
        mesh=_mesh(),
        scratch_types=[
            pltpu.VMEM((CH,), jnp.int32),
            pltpu.VMEM((CH,), jnp.int32),
            pltpu.VMEM((CH, DIM), jnp.float32),
            pltpu.VMEM_SHARED((N_PAD, DIM), jnp.float32),
            pltpu.SemaphoreType.DMA,
            pltpu.SemaphoreType.DMA,
        ],
    )
    def deg_kernel(dst_hbm, ones_hbm, zeros_hbm, out_hbm,
                   di0, di1, ones_v, acc_sh, sem0, sem1):
        c = lax.axis_index("c")
        s = lax.axis_index("s")
        base = (c * NS + s) * PER_W
        pltpu.sync_copy(zeros_hbm, acc_sh.at[pl.ds(s * STRIPE, STRIPE)])
        pltpu.sync_copy(ones_hbm, ones_v)
        plsc.subcore_barrier()

        def start(j, dbuf, sem):
            pltpu.async_copy(dst_hbm.at[pl.ds(base + j * CH, CH)], dbuf, sem)

        def drain(dbuf, sem):
            pltpu.make_async_copy(dst_hbm.at[pl.ds(0, CH)], dbuf, sem).wait()
            pltpu.sync_copy(ones_v, acc_sh.at[dbuf], add=True)

        start(0, di0, sem0)

        @pl.loop(0, NITER - 1, step=2)
        def _(j):
            start(j + 1, di1, sem1)
            drain(di0, sem0)
            start(j + 2, di0, sem0)
            drain(di1, sem1)

        drain(di0, sem0)

        plsc.subcore_barrier()
        pltpu.sync_copy(
            acc_sh.at[pl.ds(s * STRIPE, STRIPE)],
            out_hbm.at[c, pl.ds(s * STRIPE, STRIPE)],
        )

    return deg_kernel(dst3, ones_rows, zeros_init)


def _sc_aggregate(h, src2, dst3, zeros_init):

    @functools.partial(
        pl.kernel,
        out_type=jax.ShapeDtypeStruct((NC, N_PAD, DIM), jnp.float32),
        mesh=_mesh(),
        scratch_types=[
            pltpu.VMEM((PER_W,), jnp.int32),
            pltpu.VMEM((CH,), jnp.int32),
            pltpu.VMEM((CH,), jnp.int32),
            pltpu.VMEM((CH,), jnp.int32),
            pltpu.VMEM((CH, DIM), jnp.float32),
            pltpu.VMEM((CH, DIM), jnp.float32),
            pltpu.VMEM((CH, DIM), jnp.float32),
            pltpu.VMEM_SHARED((N_PAD, DIM), jnp.float32),
            pltpu.SemaphoreType.DMA,
            pltpu.SemaphoreType.DMA,
            pltpu.SemaphoreType.DMA,
            pltpu.SemaphoreType.DMA,
            pltpu.SemaphoreType.DMA,
            pltpu.SemaphoreType.DMA,
        ],
    )
    def agg_kernel(h_hbm, src_hbm, dst_hbm, zeros_hbm, out_hbm,
                   src_v, di0, di1, di2, buf0, buf1, buf2, acc_sh,
                   gsem0, gsem1, gsem2, isem0, isem1, isem2):
        c = lax.axis_index("c")
        s = lax.axis_index("s")
        w = c * NS + s
        base = w * PER_W
        pltpu.sync_copy(zeros_hbm, acc_sh.at[pl.ds(s * STRIPE, STRIPE)])
        pltpu.sync_copy(src_hbm.at[w], src_v)
        plsc.subcore_barrier()

        def start(j, buf, dbuf, gsem, isem):
            off = pl.multiple_of(j * CH, 8)
            pltpu.async_copy(h_hbm.at[src_v.at[pl.ds(off, CH)]], buf, gsem)
            pltpu.async_copy(dst_hbm.at[pl.ds(base + j * CH, CH)], dbuf, isem)

        def drain(buf, dbuf, gsem, isem):
            pltpu.make_async_copy(h_hbm.at[src_v.at[pl.ds(0, CH)]], buf, gsem).wait()
            pltpu.make_async_copy(dst_hbm.at[pl.ds(0, CH)], dbuf, isem).wait()
            pltpu.sync_copy(buf, acc_sh.at[dbuf], add=True)

        start(0, buf0, di0, gsem0, isem0)
        start(1, buf1, di1, gsem1, isem1)
        start(2, buf2, di2, gsem2, isem2)

        @pl.loop(0, NITER - 4, step=3)
        def _(j):
            drain(buf0, di0, gsem0, isem0)
            start(j + 3, buf0, di0, gsem0, isem0)
            drain(buf1, di1, gsem1, isem1)
            start(j + 4, buf1, di1, gsem1, isem1)
            drain(buf2, di2, gsem2, isem2)

            @pl.when(j + 5 < NITER)
            def _():
                start(j + 5, buf2, di2, gsem2, isem2)

        drain(buf0, di0, gsem0, isem0)
        drain(buf1, di1, gsem1, isem1)

        plsc.subcore_barrier()
        pltpu.sync_copy(
            acc_sh.at[pl.ds(s * STRIPE, STRIPE)],
            out_hbm.at[c, pl.ds(s * STRIPE, STRIPE)],
        )

    return agg_kernel(h, src2, dst3, zeros_init)


def _dinv_block(deg_ref):
    d = deg_ref[0] + deg_ref[1]
    return lax.rsqrt(d[:, 0:1] + 1.0)


def _tc_in_body(deg_ref, x_ref, w_ref, out_ref):
    dinv = _dinv_block(deg_ref)
    h = jnp.dot(x_ref[...], w_ref[...], preferred_element_type=jnp.float32)
    out_ref[...] = h * dinv


def _tc_mid_body(deg_ref, p_ref, hp_ref, b_ref, w_ref, out_ref):
    dinv = _dinv_block(deg_ref)
    t = dinv * (p_ref[0] + p_ref[1] + hp_ref[...]) + b_ref[...]
    r = jnp.maximum(t, 0.0)
    h = jnp.dot(r, w_ref[...], preferred_element_type=jnp.float32)
    out_ref[...] = h * dinv


def _tc_out_body(deg_ref, p_ref, hp_ref, b_ref, out_ref):
    dinv = _dinv_block(deg_ref)
    t = dinv * (p_ref[0] + p_ref[1] + hp_ref[...]) + b_ref[...]
    m = jnp.max(t, axis=1, keepdims=True)
    lse = jnp.log(jnp.sum(jnp.exp(t - m), axis=1, keepdims=True)) + m
    out_ref[...] = t - lse


_DEG_SPEC = pl.BlockSpec((NC, BM, 16), lambda i: (0, i, 0))
_ROW_SPEC = pl.BlockSpec((BM, DIM), lambda i: (i, 0))
_PART_SPEC = pl.BlockSpec((NC, BM, DIM), lambda i: (0, i, 0))
_W_SPEC = pl.BlockSpec((DIM, DIM), lambda i: (0, 0))
_B_SPEC = pl.BlockSpec((1, DIM), lambda i: (0, 0))
_GRID = (N_NODES // BM,)
_ROW_OUT = jax.ShapeDtypeStruct((N_NODES, DIM), jnp.float32)


def _tc_in(deg, x, W1):
    return pl.pallas_call(
        _tc_in_body,
        grid=_GRID,
        in_specs=[_DEG_SPEC, _ROW_SPEC, _W_SPEC],
        out_specs=_ROW_SPEC,
        out_shape=_ROW_OUT,
    )(deg, x, W1)


def _tc_mid(deg, parts, hp, b1, W2):
    return pl.pallas_call(
        _tc_mid_body,
        grid=_GRID,
        in_specs=[_DEG_SPEC, _PART_SPEC, _ROW_SPEC, _B_SPEC, _W_SPEC],
        out_specs=_ROW_SPEC,
        out_shape=_ROW_OUT,
    )(deg, parts, hp, b1, W2)


def _tc_out(deg, parts, hp, b2):
    return pl.pallas_call(
        _tc_out_body,
        grid=_GRID,
        in_specs=[_DEG_SPEC, _PART_SPEC, _ROW_SPEC, _B_SPEC],
        out_specs=_ROW_SPEC,
        out_shape=_ROW_OUT,
    )(deg, parts, hp, b2)


def kernel(x, edge_index, W1, b1, W2, b2):
    ei = edge_index.astype(jnp.int32)
    src2 = ei[0].reshape(NW, PER_W)
    dst1 = ei[1]
    ones128 = jnp.ones((CH, DIM), jnp.float32)
    zeros128 = jnp.zeros((STRIPE, DIM), jnp.float32)

    deg = _sc_degree(dst1, ones128, zeros128)[:, :, :16]
    h1p = _tc_in(deg, x, W1)
    p1 = _sc_aggregate(h1p, src2, dst1, zeros128)
    h2p = _tc_mid(deg, p1, h1p, b1.reshape(1, DIM), W2)
    p2 = _sc_aggregate(h2p, src2, dst1, zeros128)
    return _tc_out(deg, p2, h2p, b2.reshape(1, DIM))

# --- scband reference (transcript-rebuilt; emitter-appended) ---
"""Pipeline reference for scband-gcn-35287451304491 (READ-ONLY COPY).

The authoritative reference and input builder live on the scoring server;
editing this copy changes nothing except your own understanding.
"""

import jax, jax.numpy as jnp
import numpy as np


def gcn_conv(x, edge_index, W, b):
    num_nodes = x.shape[0]
    src = edge_index[0]
    dst = edge_index[1]
    # add self loops (PyG GCNConv default)
    loop = jnp.arange(num_nodes, dtype=edge_index.dtype)
    src = jnp.concatenate([src, loop])
    dst = jnp.concatenate([dst, loop])
    # symmetric normalization D^{-1/2} (A+I) D^{-1/2}
    deg = jnp.zeros((num_nodes,), dtype=x.dtype).at[dst].add(1.0)
    dinv = jnp.where(deg > 0, 1.0 / jnp.sqrt(deg), 0.0)
    norm = dinv[src] * dinv[dst]
    h = x @ W
    msg = h[src] * norm[:, None]
    out = jnp.zeros((num_nodes, W.shape[1]), dtype=x.dtype).at[dst].add(msg)
    return out + b


def setup_inputs(seed: int = 0) -> dict:
    key = jax.random.key(seed)
    k_x, k_e, k_w1, k_b1, k_w2, k_b2 = jax.random.split(key, 6)
    n_nodes = 10000
    n_edges = 320000
    dim_in, dim_h, dim_out = 128, 128, 128
    x = jax.random.normal(k_x, (n_nodes, dim_in), dtype=jnp.float32)
    edge_index = jax.random.randint(k_e, (2, n_edges), 0, n_nodes, dtype=jnp.int64)
    W1 = jax.random.normal(k_w1, (dim_in, dim_h), dtype=jnp.float32) * 0.05
    b1 = jnp.zeros((dim_h,), dtype=jnp.float32)
    W2 = jax.random.normal(k_w2, (dim_h, dim_out), dtype=jnp.float32) * 0.05
    b2 = jnp.zeros((dim_out,), dtype=jnp.float32)
    return {"x": x, "edge_index": edge_index, "W1": W1, "b1": b1, "W2": W2, "b2": b2}


def reference(x, edge_index, W1, b1, W2, b2):
    # dropout is identity in eval mode
    h = gcn_conv(x, edge_index, W1, b1)
    h = jax.nn.relu(h)
    h = gcn_conv(h, edge_index, W2, b2)
    return jax.nn.log_softmax(h, axis=1)

if __name__ == "__main__":
    import jax
    _d = setup_inputs()
    print(jax.jit(kernel)(*tuple(_d.values())))

</pallas_src>

<mosaic_0001>
#map = affine_map<(d0, d1) -> (0, 0)>
#map1 = affine_map<(d0, d1) -> (0)>
#map2 = affine_map<(d0, d1) -> (0, 0, 0)>
module attributes {stable_mosaic.version = 14 : i64} {
  func.func @agg_kernel(%arg0: i32, %arg1: i32, %arg2: memref<10000x128xf32, #tpu.memory_space<hbm>>, %arg3: memref<32x10000xi32, #tpu.memory_space<hbm>>, %arg4: memref<320000xi32, #tpu.memory_space<hbm>>, %arg5: memref<640x128xf32, #tpu.memory_space<hbm>>, %arg6: memref<2x10240x128xf32, #tpu.memory_space<hbm>>, %arg7: memref<10000xi32, #tpu.memory_space<vmem>>, %arg8: memref<80xi32, #tpu.memory_space<vmem>>, %arg9: memref<80xi32, #tpu.memory_space<vmem>>, %arg10: memref<80xi32, #tpu.memory_space<vmem>>, %arg11: memref<80x128xf32, #tpu.memory_space<vmem>>, %arg12: memref<80x128xf32, #tpu.memory_space<vmem>>, %arg13: memref<80x128xf32, #tpu.memory_space<vmem>>, %arg14: memref<10240x128xf32, #tpu.memory_space<vmem_shared>>, %arg15: memref<!tpu.dma_semaphore, #tpu.memory_space<semaphore_mem>>, %arg16: memref<!tpu.dma_semaphore, #tpu.memory_space<semaphore_mem>>, %arg17: memref<!tpu.dma_semaphore, #tpu.memory_space<semaphore_mem>>, %arg18: memref<!tpu.dma_semaphore, #tpu.memory_space<semaphore_mem>>, %arg19: memref<!tpu.dma_semaphore, #tpu.memory_space<semaphore_mem>>, %arg20: memref<!tpu.dma_semaphore, #tpu.memory_space<semaphore_mem>>) attributes {dimension_semantics = [#tpu.dimension_semantics<core_parallel>, #tpu.dimension_semantics<subcore_parallel>], iteration_bounds = array<i64: 2, 16>, scalar_prefetch = 0 : i64, scratch_operands = 14 : i64, tpu.core_type = #tpu.core_type<sc_vector_subcore>, window_params = [{transform_indices = #map}, {transform_indices = #map}, {transform_indices = #map1}, {transform_indices = #map}, {transform_indices = #map2}]} {
    %mul3A = arith.constant 16 : i32
    %mul3A_0 = arith.muli %arg0, %mul3A : i32
    %add3A = arith.addi %mul3A_0, %arg1 : i32
    %mul3A_1 = arith.constant 10000 : i32
    %mul3A_2 = arith.muli %add3A, %mul3A_1 : i32
    %mul3A_3 = arith.constant 640 : i32
    %mul3A_4 = arith.muli %arg1, %mul3A_3 : i32
    "tpu.region"() ({
      %run_scoped3A = tpu.sem_alloc : memref<!tpu.dma_semaphore, #tpu.memory_space<semaphore_mem>>
      %dma_start3A_59 = arith.constant 0 : i32
      %dma_start3A_60 = tpu.memref_slice %arg14[%mul3A_4, %dma_start3A_59] : memref<10240x128xf32, #tpu.memory_space<vmem_shared>> -> memref<640x128xf32, #tpu.memory_space<vmem_shared>>
      tpu.enqueue_dma source(%arg5 : memref<640x128xf32, #tpu.memory_space<hbm>>) target(%dma_start3A_60 : memref<640x128xf32, #tpu.memory_space<vmem_shared>>) target_semaphore(%run_scoped3A : memref<!tpu.dma_semaphore, #tpu.memory_space<semaphore_mem>>)
      %dma_wait3A_61 = arith.constant 0 : i32
      %dma_wait3A_62 = tpu.memref_slice %arg14[%mul3A_4, %dma_wait3A_61] : memref<10240x128xf32, #tpu.memory_space<vmem_shared>> -> memref<640x128xf32, #tpu.memory_space<vmem_shared>>
      tpu.wait_dma2 semaphore(%run_scoped3A : memref<!tpu.dma_semaphore, #tpu.memory_space<semaphore_mem>>) src(%arg5 : memref<640x128xf32, #tpu.memory_space<hbm>>) dst(%dma_wait3A_62 : memref<640x128xf32, #tpu.memory_space<vmem_shared>>)
      tpu.yield
    }) : () -> ()
    "tpu.region"() ({
      %run_scoped3A = tpu.sem_alloc : memref<!tpu.dma_semaphore, #tpu.memory_space<semaphore_mem>>
      %dma_start3A_59 = arith.constant 0 : i32
      %dma_start3A_60 = tpu.memref_slice %arg3[%add3A, %dma_start3A_59] : memref<32x10000xi32, #tpu.memory_space<hbm>> -> memref<1x10000xi32, #tpu.memory_space<hbm>>
      %dma_start3A_61 = tpu.memref_squeeze %dma_start3A_60 : memref<1x10000xi32, #tpu.memory_space<hbm>> -> memref<10000xi32, #tpu.memory_space<hbm>>
      %dma_start3A_62 = arith.constant 0 : i32
      %dma_start3A_63 = tpu.memref_slice %arg3[%add3A, %dma_start3A_62] : memref<32x10000xi32, #tpu.memory_space<hbm>> -> memref<1x10000xi32, #tpu.memory_space<hbm>>
      %dma_start3A_64 = tpu.memref_squeeze %dma_start3A_63 : memref<1x10000xi32, #tpu.memory_space<hbm>> -> memref<10000xi32, #tpu.memory_space<hbm>>
      tpu.enqueue_dma source(%dma_start3A_64 : memref<10000xi32, #tpu.memory_space<hbm>>) target(%arg7 : memref<10000xi32, #tpu.memory_space<vmem>>) target_semaphore(%run_scoped3A : memref<!tpu.dma_semaphore, #tpu.memory_space<semaphore_mem>>)
      %dma_wait3A_65 = arith.constant 0 : i32
      %dma_wait3A_66 = tpu.memref_slice %arg3[%add3A, %dma_wait3A_65] : memref<32x10000xi32, #tpu.memory_space<hbm>> -> memref<1x10000xi32, #tpu.memory_space<hbm>>
      %dma_wait3A_67 = tpu.memref_squeeze %dma_wait3A_66 : memref<1x10000xi32, #tpu.memory_space<hbm>> -> memref<10000xi32, #tpu.memory_space<hbm>>
      %dma_wait3A_68 = arith.constant 0 : i32
      %dma_wait3A_69 = tpu.memref_slice %arg3[%add3A, %dma_wait3A_68] : memref<32x10000xi32, #tpu.memory_space<hbm>> -> memref<1x10000xi32, #tpu.memory_space<hbm>>
      %dma_wait3A_70 = tpu.memref_squeeze %dma_wait3A_69 : memref<1x10000xi32, #tpu.memory_space<hbm>> -> memref<10000xi32, #tpu.memory_space<hbm>>
      tpu.wait_dma2 semaphore(%run_scoped3A : memref<!tpu.dma_semaphore, #tpu.memory_space<semaphore_mem>>) src(%dma_wait3A_70 : memref<10000xi32, #tpu.memory_space<hbm>>) dst(%arg7 : memref<10000xi32, #tpu.memory_space<vmem>>)
      tpu.yield
    }) : () -> ()
    %barrier3A = arith.constant 0 : index
    tpu.barrier barrier_id(%barrier3A)
    %multiple_of3A = arith.constant 0 : i32
    %multiple_of3A_5 = tpu.assume_multiple %multiple_of3A, 8 : i32
    %dma_start3A = tpu.memref_slice %arg7[%multiple_of3A_5] : memref<10000xi32, #tpu.memory_space<vmem>> -> memref<80xi32, #tpu.memory_space<vmem>>
    %dma_start3A_6 = arith.constant 0 : i32
    %dma_start3A_7 = arith.constant 0 : i32
    %dma_start3A_8 = tpu.memref_slice %arg2[%dma_start3A_6, %dma_start3A_7] : memref<10000x128xf32, #tpu.memory_space<hbm>> -> memref<10000x128xf32, #tpu.memory_space<hbm>>
    tpu.enqueue_indirect_dma source(%dma_start3A_8 : memref<10000x128xf32, #tpu.memory_space<hbm>>) target(%arg11 : memref<80x128xf32, #tpu.memory_space<vmem>>) offsets(%dma_start3A : memref<80xi32, #tpu.memory_space<vmem>>) semaphore(%arg15 : memref<!tpu.dma_semaphore, #tpu.memory_space<semaphore_mem>>)
    %add3A_9 = arith.constant 0 : i32
    %add3A_10 = arith.addi %mul3A_2, %add3A_9 : i32
    %dma_start3A_11 = tpu.memref_slice %arg4[%add3A_10] : memref<320000xi32, #tpu.memory_space<hbm>> -> memref<80xi32, #tpu.memory_space<hbm>>
    %dma_start3A_12 = tpu.memref_slice %arg4[%add3A_10] : memref<320000xi32, #tpu.memory_space<hbm>> -> memref<80xi32, #tpu.memory_space<hbm>>
    tpu.enqueue_dma source(%dma_start3A_12 : memref<80xi32, #tpu.memory_space<hbm>>) target(%arg8 : memref<80xi32, #tpu.memory_space<vmem>>) target_semaphore(%arg18 : memref<!tpu.dma_semaphore, #tpu.memory_space<semaphore_mem>>)
    %multiple_of3A_13 = arith.constant 80 : i32
    %multiple_of3A_14 = tpu.assume_multiple %multiple_of3A_13, 8 : i32
    %dma_start3A_15 = tpu.memref_slice %arg7[%multiple_of3A_14] : memref<10000xi32, #tpu.memory_space<vmem>> -> memref<80xi32, #tpu.memory_space<vmem>>
    %dma_start3A_16 = arith.constant 0 : i32
    %dma_start3A_17 = arith.constant 0 : i32
    %dma_start3A_18 = tpu.memref_slice %arg2[%dma_start3A_16, %dma_start3A_17] : memref<10000x128xf32, #tpu.memory_space<hbm>> -> memref<10000x128xf32, #tpu.memory_space<hbm>>
    tpu.enqueue_indirect_dma source(%dma_start3A_18 : memref<10000x128xf32, #tpu.memory_space<hbm>>) target(%arg12 : memref<80x128xf32, #tpu.memory_space<vmem>>) offsets(%dma_start3A_15 : memref<80xi32, #tpu.memory_space<vmem>>) semaphore(%arg16 : memref<!tpu.dma_semaphore, #tpu.memory_space<semaphore_mem>>)
    %add3A_19 = arith.constant 80 : i32
    %add3A_20 = arith.addi %mul3A_2, %add3A_19 : i32
    %dma_start3A_21 = tpu.memref_slice %arg4[%add3A_20] : memref<320000xi32, #tpu.memory_space<hbm>> -> memref<80xi32, #tpu.memory_space<hbm>>
    %dma_start3A_22 = tpu.memref_slice %arg4[%add3A_20] : memref<320000xi32, #tpu.memory_space<hbm>> -> memref<80xi32, #tpu.memory_space<hbm>>
    tpu.enqueue_dma source(%dma_start3A_22 : memref<80xi32, #tpu.memory_space<hbm>>) target(%arg9 : memref<80xi32, #tpu.memory_space<vmem>>) target_semaphore(%arg19 : memref<!tpu.dma_semaphore, #tpu.memory_space<semaphore_mem>>)
    %multiple_of3A_23 = arith.constant 160 : i32
    %multiple_of3A_24 = tpu.assume_multiple %multiple_of3A_23, 8 : i32
    %dma_start3A_25 = tpu.memref_slice %arg7[%multiple_of3A_24] : memref<10000xi32, #tpu.memory_space<vmem>> -> memref<80xi32, #tpu.memory_space<vmem>>
    %dma_start3A_26 = arith.constant 0 : i32
    %dma_start3A_27 = arith.constant 0 : i32
    %dma_start3A_28 = tpu.memref_slice %arg2[%dma_start3A_26, %dma_start3A_27] : memref<10000x128xf32, #tpu.memory_space<hbm>> -> memref<10000x128xf32, #tpu.memory_space<hbm>>
    tpu.enqueue_indirect_dma source(%dma_start3A_28 : memref<10000x128xf32, #tpu.memory_space<hbm>>) target(%arg13 : memref<80x128xf32, #tpu.memory_space<vmem>>) offsets(%dma_start3A_25 : memref<80xi32, #tpu.memory_space<vmem>>) semaphore(%arg17 : memref<!tpu.dma_semaphore, #tpu.memory_space<semaphore_mem>>)
    %add3A_29 = arith.constant 160 : i32
    %add3A_30 = arith.addi %mul3A_2, %add3A_29 : i32
    %dma_start3A_31 = tpu.memref_slice %arg4[%add3A_30] : memref<320000xi32, #tpu.memory_space<hbm>> -> memref<80xi32, #tpu.memory_space<hbm>>
    %dma_start3A_32 = tpu.memref_slice %arg4[%add3A_30] : memref<320000xi32, #tpu.memory_space<hbm>> -> memref<80xi32, #tpu.memory_space<hbm>>
    tpu.enqueue_dma source(%dma_start3A_32 : memref<80xi32, #tpu.memory_space<hbm>>) target(%arg10 : memref<80xi32, #tpu.memory_space<vmem>>) target_semaphore(%arg20 : memref<!tpu.dma_semaphore, #tpu.memory_space<semaphore_mem>>)
    %scan3A = arith.constant 0 : i32
    %scan3A_33 = arith.constant 41 : i32
    %scan3A_34 = arith.addi %scan3A, %scan3A_33 : i32
    %scan3A_35 = arith.constant 1 : i32
    scf.for %scan3A_59 = %scan3A to %scan3A_34 step %scan3A_35  : i32 {
      %mul3A_60 = arith.constant 3 : i32
      %mul3A_61 = arith.muli %scan3A_59, %mul3A_60 : i32
      %add3A_62 = arith.constant 0 : i32
      %add3A_63 = arith.addi %add3A_62, %mul3A_61 : i32
      %dma_wait3A_64 = arith.constant 0 : i32
      %dma_wait3A_65 = tpu.memref_slice %arg7[%dma_wait3A_64] : memref<10000xi32, #tpu.memory_space<vmem>> -> memref<80xi32, #tpu.memory_space<vmem>>
      %dma_wait3A_66 = arith.constant 0 : i32
      %dma_wait3A_67 = arith.constant 0 : i32
      %dma_wait3A_68 = tpu.memref_slice %arg2[%dma_wait3A_66, %dma_wait3A_67] : memref<10000x128xf32, #tpu.memory_space<hbm>> -> memref<10000x128xf32, #tpu.memory_space<hbm>>
      tpu.wait_indirect_dma semaphore(%arg15 : memref<!tpu.dma_semaphore, #tpu.memory_space<semaphore_mem>>) src(%dma_wait3A_68 : memref<10000x128xf32, #tpu.memory_space<hbm>>) dst(%arg11 : memref<80x128xf32, #tpu.memory_space<vmem>>)
      %dma_wait3A_69 = arith.constant 0 : i32
      %dma_wait3A_70 = tpu.memref_slice %arg4[%dma_wait3A_69] : memref<320000xi32, #tpu.memory_space<hbm>> -> memref<80xi32, #tpu.memory_space<hbm>>
      %dma_wait3A_71 = arith.constant 0 : i32
      %dma_wait3A_72 = tpu.memref_slice %arg4[%dma_wait3A_71] : memref<320000xi32, #tpu.memory_space<hbm>> -> memref<80xi32, #tpu.memory_space<hbm>>
      tpu.wait_dma2 semaphore(%arg18 : memref<!tpu.dma_semaphore, #tpu.memory_space<semaphore_mem>>) src(%dma_wait3A_72 : memref<80xi32, #tpu.memory_space<hbm>>) dst(%arg8 : memref<80xi32, #tpu.memory_space<vmem>>)
      "tpu.region"() ({
        %run_scoped3A = tpu.sem_alloc : memref<!tpu.dma_semaphore, #tpu.memory_space<semaphore_mem>>
        %dma_start3A_123 = arith.constant 0 : i32
        %dma_start3A_124 = arith.constant 0 : i32
        %dma_start3A_125 = tpu.memref_slice %arg14[%dma_start3A_123, %dma_start3A_124] : memref<10240x128xf32, #tpu.memory_space<vmem_shared>> -> memref<10240x128xf32, #tpu.memory_space<vmem_shared>>
        tpu.enqueue_indirect_dma source(%arg11 : memref<80x128xf32, #tpu.memory_space<vmem>>) target(%dma_start3A_125 : memref<10240x128xf32, #tpu.memory_space<vmem_shared>>) offsets(%arg8 : memref<80xi32, #tpu.memory_space<vmem>>) semaphore(%run_scoped3A : memref<!tpu.dma_semaphore, #tpu.memory_space<semaphore_mem>>) {add = true}
        %dma_wait3A_126 = arith.constant 0 : i32
        %dma_wait3A_127 = arith.constant 0 : i32
        %dma_wait3A_128 = tpu.memref_slice %arg14[%dma_wait3A_126, %dma_wait3A_127] : memref<10240x128xf32, #tpu.memory_space<vmem_shared>> -> memref<10240x128xf32, #tpu.memory_space<vmem_shared>>
        tpu.wait_indirect_dma semaphore(%run_scoped3A : memref<!tpu.dma_semaphore, #tpu.memory_space<semaphore_mem>>) src(%arg11 : memref<80x128xf32, #tpu.memory_space<vmem>>) dst(%dma_wait3A_128 : memref<10240x128xf32, #tpu.memory_space<vmem_shared>>)
        tpu.yield
      }) : () -> ()
      %add3A_73 = arith.constant 3 : i32
      %add3A_74 = arith.addi %add3A_63, %add3A_73 : i32
      %mul3A_75 = arith.constant 80 : i32
      %mul3A_76 = arith.muli %add3A_74, %mul3A_75 : i32
      %multiple_of3A_77 = tpu.assume_multiple %mul3A_76, 8 : i32
      %dma_start3A_78 = tpu.memref_slice %arg7[%multiple_of3A_77] : memref<10000xi32, #tpu.memory_space<vmem>> -> memref<80xi32, #tpu.memory_space<vmem>>
      %dma_start3A_79 = arith.constant 0 : i32
      %dma_start3A_80 = arith.constant 0 : i32
      %dma_start3A_81 = tpu.memref_slice %arg2[%dma_start3A_79, %dma_start3A_80] : memref<10000x128xf32, #tpu.memory_space<hbm>> -> memref<10000x128xf32, #tpu.memory_space<hbm>>
      tpu.enqueue_indirect_dma source(%dma_start3A_81 : memref<10000x128xf32, #tpu.memory_space<hbm>>) target(%arg11 : memref<80x128xf32, #tpu.memory_space<vmem>>) offsets(%dma_start3A_78 : memref<80xi32, #tpu.memory_space<vmem>>) semaphore(%arg15 : memref<!tpu.dma_semaphore, #tpu.memory_space<semaphore_mem>>)
      %mul3A_82 = arith.constant 80 : i32
      %mul3A_83 = arith.muli %add3A_74, %mul3A_82 : i32
      %add3A_84 = arith.addi %mul3A_2, %mul3A_83 : i32
      %dma_start3A_85 = tpu.memref_slice %arg4[%add3A_84] : memref<320000xi32, #tpu.memory_space<hbm>> -> memref<80xi32, #tpu.memory_space<hbm>>
      %dma_start3A_86 = tpu.memref_slice %arg4[%add3A_84] : memref<320000xi32, #tpu.memory_space<hbm>> -> memref<80xi32, #tpu.memory_space<hbm>>
      tpu.enqueue_dma source(%dma_start3A_86 : memref<80xi32, #tpu.memory_space<hbm>>) target(%arg8 : memref<80xi32, #tpu.memory_space<vmem>>) target_semaphore(%arg18 : memref<!tpu.dma_semaphore, #tpu.memory_space<semaphore_mem>>)
      %dma_wait3A_87 = arith.constant 0 : i32
      %dma_wait3A_88 = tpu.memref_slice %arg7[%dma_wait3A_87] : memref<10000xi32, #tpu.memory_space<vmem>> -> memref<80xi32, #tpu.memory_space<vmem>>
      %dma_wait3A_89 = arith.constant 0 : i32
      %dma_wait3A_90 = arith.constant 0 : i32
      %dma_wait3A_91 = tpu.memref_slice %arg2[%dma_wait3A_89, %dma_wait3A_90] : memref<10000x128xf32, #tpu.memory_space<hbm>> -> memref<10000x128xf32, #tpu.memory_space<hbm>>
      tpu.wait_indirect_dma semaphore(%arg16 : memref<!tpu.dma_semaphore, #tpu.memory_space<semaphore_mem>>) src(%dma_wait3A_91 : memref<10000x128xf32, #tpu.memory_space<hbm>>) dst(%arg12 : memref<80x128xf32, #tpu.memory_space<vmem>>)
      %dma_wait3A_92 = arith.constant 0 : i32
      %dma_wait3A_93 = tpu.memref_slice %arg4[%dma_wait3A_92] : memref<320000xi32, #tpu.memory_space<hbm>> -> memref<80xi32, #tpu.memory_space<hbm>>
      %dma_wait3A_94 = arith.constant 0 : i32
      %dma_wait3A_95 = tpu.memref_slice %arg4[%dma_wait3A_94] : memref<320000xi32, #tpu.memory_space<hbm>> -> memref<80xi32, #tpu.memory_space<hbm>>
      tpu.wait_dma2 semaphore(%arg19 : memref<!tpu.dma_semaphore, #tpu.memory_space<semaphore_mem>>) src(%dma_wait3A_95 : memref<80xi32, #tpu.memory_space<hbm>>) dst(%arg9 : memref<80xi32, #tpu.memory_space<vmem>>)
      "tpu.region"() ({
        %run_scoped3A = tpu.sem_alloc : memref<!tpu.dma_semaphore, #tpu.memory_space<semaphore_mem>>
        %dma_start3A_123 = arith.constant 0 : i32
        %dma_start3A_124 = arith.constant 0 : i32
        %dma_start3A_125 = tpu.memref_slice %arg14[%dma_start3A_123, %dma_start3A_124] : memref<10240x128xf32, #tpu.memory_space<vmem_shared>> -> memref<10240x128xf32, #tpu.memory_space<vmem_shared>>
        tpu.enqueue_indirect_dma source(%arg12 : memref<80x128xf32, #tpu.memory_space<vmem>>) target(%dma_start3A_125 : memref<10240x128xf32, #tpu.memory_space<vmem_shared>>) offsets(%arg9 : memref<80xi32, #tpu.memory_space<vmem>>) semaphore(%run_scoped3A : memref<!tpu.dma_semaphore, #tpu.memory_space<semaphore_mem>>) {add = true}
        %dma_wait3A_126 = arith.constant 0 : i32
        %dma_wait3A_127 = arith.constant 0 : i32
        %dma_wait3A_128 = tpu.memref_slice %arg14[%dma_wait3A_126, %dma_wait3A_127] : memref<10240x128xf32, #tpu.memory_space<vmem_shared>> -> memref<10240x128xf32, #tpu.memory_space<vmem_shared>>
        tpu.wait_indirect_dma semaphore(%run_scoped3A : memref<!tpu.dma_semaphore, #tpu.memory_space<semaphore_mem>>) src(%arg12 : memref<80x128xf32, #tpu.memory_space<vmem>>) dst(%dma_wait3A_128 : memref<10240x128xf32, #tpu.memory_space<vmem_shared>>)
        tpu.yield
      }) : () -> ()
      %add3A_96 = arith.constant 4 : i32
      %add3A_97 = arith.addi %add3A_63, %add3A_96 : i32
      %mul3A_98 = arith.constant 80 : i32
      %mul3A_99 = arith.muli %add3A_97, %mul3A_98 : i32
      %multiple_of3A_100 = tpu.assume_multiple %mul3A_99, 8 : i32
      %dma_start3A_101 = tpu.memref_slice %arg7[%multiple_of3A_100] : memref<10000xi32, #tpu.memory_space<vmem>> -> memref<80xi32, #tpu.memory_space<vmem>>
      %dma_start3A_102 = arith.constant 0 : i32
      %dma_start3A_103 = arith.constant 0 : i32
      %dma_start3A_104 = tpu.memref_slice %arg2[%dma_start3A_102, %dma_start3A_103] : memref<10000x128xf32, #tpu.memory_space<hbm>> -> memref<10000x128xf32, #tpu.memory_space<hbm>>
      tpu.enqueue_indirect_dma source(%dma_start3A_104 : memref<10000x128xf32, #tpu.memory_space<hbm>>) target(%arg12 : memref<80x128xf32, #tpu.memory_space<vmem>>) offsets(%dma_start3A_101 : memref<80xi32, #tpu.memory_space<vmem>>) semaphore(%arg16 : memref<!tpu.dma_semaphore, #tpu.memory_space<semaphore_mem>>)
      %mul3A_105 = arith.constant 80 : i32
      %mul3A_106 = arith.muli %add3A_97, %mul3A_105 : i32
      %add3A_107 = arith.addi %mul3A_2, %mul3A_106 : i32
      %dma_start3A_108 = tpu.memref_slice %arg4[%add3A_107] : memref<320000xi32, #tpu.memory_space<hbm>> -> memref<80xi32, #tpu.memory_space<hbm>>
      %dma_start3A_109 = tpu.memref_slice %arg4[%add3A_107] : memref<320000xi32, #tpu.memory_space<hbm>> -> memref<80xi32, #tpu.memory_space<hbm>>
      tpu.enqueue_dma source(%dma_start3A_109 : memref<80xi32, #tpu.memory_space<hbm>>) target(%arg9 : memref<80xi32, #tpu.memory_space<vmem>>) target_semaphore(%arg19 : memref<!tpu.dma_semaphore, #tpu.memory_space<semaphore_mem>>)
      %dma_wait3A_110 = arith.constant 0 : i32
      %dma_wait3A_111 = tpu.memref_slice %arg7[%dma_wait3A_110] : memref<10000xi32, #tpu.memory_space<vmem>> -> memref<80xi32, #tpu.memory_space<vmem>>
      %dma_wait3A_112 = arith.constant 0 : i32
      %dma_wait3A_113 = arith.constant 0 : i32
      %dma_wait3A_114 = tpu.memref_slice %arg2[%dma_wait3A_112, %dma_wait3A_113] : memref<10000x128xf32, #tpu.memory_space<hbm>> -> memref<10000x128xf32, #tpu.memory_space<hbm>>
      tpu.wait_indirect_dma semaphore(%arg17 : memref<!tpu.dma_semaphore, #tpu.memory_space<semaphore_mem>>) src(%dma_wait3A_114 : memref<10000x128xf32, #tpu.memory_space<hbm>>) dst(%arg13 : memref<80x128xf32, #tpu.memory_space<vmem>>)
      %dma_wait3A_115 = arith.constant 0 : i32
      %dma_wait3A_116 = tpu.memref_slice %arg4[%dma_wait3A_115] : memref<320000xi32, #tpu.memory_space<hbm>> -> memref<80xi32, #tpu.memory_space<hbm>>
      %dma_wait3A_117 = arith.constant 0 : i32
      %dma_wait3A_118 = tpu.memref_slice %arg4[%dma_wait3A_117] : memref<320000xi32, #tpu.memory_space<hbm>> -> memref<80xi32, #tpu.memory_space<hbm>>
      tpu.wait_dma2 semaphore(%arg20 : memref<!tpu.dma_semaphore, #tpu.memory_space<semaphore_mem>>) src(%dma_wait3A_118 : memref<80xi32, #tpu.memory_space<hbm>>) dst(%arg10 : memref<80xi32, #tpu.memory_space<vmem>>)
      "tpu.region"() ({
        %run_scoped3A = tpu.sem_alloc : memref<!tpu.dma_semaphore, #tpu.memory_space<semaphore_mem>>
        %dma_start3A_123 = arith.constant 0 : i32
        %dma_start3A_124 = arith.constant 0 : i32
        %dma_start3A_125 = tpu.memref_slice %arg14[%dma_start3A_123, %dma_start3A_124] : memref<10240x128xf32, #tpu.memory_space<vmem_shared>> -> memref<10240x128xf32, #tpu.memory_space<vmem_shared>>
        tpu.enqueue_indirect_dma source(%arg13 : memref<80x128xf32, #tpu.memory_space<vmem>>) target(%dma_start3A_125 : memref<10240x128xf32, #tpu.memory_space<vmem_shared>>) offsets(%arg10 : memref<80xi32, #tpu.memory_space<vmem>>) semaphore(%run_scoped3A : memref<!tpu.dma_semaphore, #tpu.memory_space<semaphore_mem>>) {add = true}
        %dma_wait3A_126 = arith.constant 0 : i32
        %dma_wait3A_127 = arith.constant 0 : i32
        %dma_wait3A_128 = tpu.memref_slice %arg14[%dma_wait3A_126, %dma_wait3A_127] : memref<10240x128xf32, #tpu.memory_space<vmem_shared>> -> memref<10240x128xf32, #tpu.memory_space<vmem_shared>>
        tpu.wait_indirect_dma semaphore(%run_scoped3A : memref<!tpu.dma_semaphore, #tpu.memory_space<semaphore_mem>>) src(%arg13 : memref<80x128xf32, #tpu.memory_space<vmem>>) dst(%dma_wait3A_128 : memref<10240x128xf32, #tpu.memory_space<vmem_shared>>)
        tpu.yield
      }) : () -> ()
      %add3A_119 = arith.constant 5 : i32
      %add3A_120 = arith.addi %add3A_63, %add3A_119 : i32
      %lt3A = arith.constant 125 : i32
      %lt3A_121 = arith.cmpi slt, %add3A_120, %lt3A : i32
      %convert_element_type3A = arith.extui %lt3A_121 : i1 to i32
      %cond3A = arith.constant 0 : i32
      %cond3A_122 = arith.cmpi ne, %convert_element_type3A, %cond3A : i32
      scf.if %cond3A_122 {
        %add3A_123 = arith.constant 5 : i32
        %add3A_124 = arith.addi %add3A_63, %add3A_123 : i32
        %mul3A_125 = arith.constant 80 : i32
        %mul3A_126 = arith.muli %add3A_124, %mul3A_125 : i32
        %multiple_of3A_127 = tpu.assume_multiple %mul3A_126, 8 : i32
        %dma_start3A_128 = tpu.memref_slice %arg7[%multiple_of3A_127] : memref<10000xi32, #tpu.memory_space<vmem>> -> memref<80xi32, #tpu.memory_space<vmem>>
        %dma_start3A_129 = arith.constant 0 : i32
        %dma_start3A_130 = arith.constant 0 : i32
        %dma_start3A_131 = tpu.memref_slice %arg2[%dma_start3A_129, %dma_start3A_130] : memref<10000x128xf32, #tpu.memory_space<hbm>> -> memref<10000x128xf32, #tpu.memory_space<hbm>>
        tpu.enqueue_indirect_dma source(%dma_start3A_131 : memref<10000x128xf32, #tpu.memory_space<hbm>>) target(%arg13 : memref<80x128xf32, #tpu.memory_space<vmem>>) offsets(%dma_start3A_128 : memref<80xi32, #tpu.memory_space<vmem>>) semaphore(%arg17 : memref<!tpu.dma_semaphore, #tpu.memory_space<semaphore_mem>>)
        %mul3A_132 = arith.constant 80 : i32
        %mul3A_133 = arith.muli %add3A_124, %mul3A_132 : i32
        %add3A_134 = arith.addi %mul3A_2, %mul3A_133 : i32
        %dma_start3A_135 = tpu.memref_slice %arg4[%add3A_134] : memref<320000xi32, #tpu.memory_space<hbm>> -> memref<80xi32, #tpu.memory_space<hbm>>
        %dma_start3A_136 = tpu.memref_slice %arg4[%add3A_134] : memref<320000xi32, #tpu.memory_space<hbm>> -> memref<80xi32, #tpu.memory_space<hbm>>
        tpu.enqueue_dma source(%dma_start3A_136 : memref<80xi32, #tpu.memory_space<hbm>>) target(%arg10 : memref<80xi32, #tpu.memory_space<vmem>>) target_semaphore(%arg20 : memref<!tpu.dma_semaphore, #tpu.memory_space<semaphore_mem>>)
      } else {
      }
    }
    %scan3A_36 = arith.constant 41 : i32
    %dma_wait3A = arith.constant 0 : i32
    %dma_wait3A_37 = tpu.memref_slice %arg7[%dma_wait3A] : memref<10000xi32, #tpu.memory_space<vmem>> -> memref<80xi32, #tpu.memory_space<vmem>>
    %dma_wait3A_38 = arith.constant 0 : i32
    %dma_wait3A_39 = arith.constant 0 : i32
    %dma_wait3A_40 = tpu.memref_slice %arg2[%dma_wait3A_38, %dma_wait3A_39] : memref<10000x128xf32, #tpu.memory_space<hbm>> -> memref<10000x128xf32, #tpu.memory_space<hbm>>
    tpu.wait_indirect_dma semaphore(%arg15 : memref<!tpu.dma_semaphore, #tpu.memory_space<semaphore_mem>>) src(%dma_wait3A_40 : memref<10000x128xf32, #tpu.memory_space<hbm>>) dst(%arg11 : memref<80x128xf32, #tpu.memory_space<vmem>>)
    %dma_wait3A_41 = arith.constant 0 : i32
    %dma_wait3A_42 = tpu.memref_slice %arg4[%dma_wait3A_41] : memref<320000xi32, #tpu.memory_space<hbm>> -> memref<80xi32, #tpu.memory_space<hbm>>
    %dma_wait3A_43 = arith.constant 0 : i32
    %dma_wait3A_44 = tpu.memref_slice %arg4[%dma_wait3A_43] : memref<320000xi32, #tpu.memory_space<hbm>> -> memref<80xi32, #tpu.memory_space<hbm>>
    tpu.wait_dma2 semaphore(%arg18 : memref<!tpu.dma_semaphore, #tpu.memory_space<semaphore_mem>>) src(%dma_wait3A_44 : memref<80xi32, #tpu.memory_space<hbm>>) dst(%arg8 : memref<80xi32, #tpu.memory_space<vmem>>)
    "tpu.region"() ({
      %run_scoped3A = tpu.sem_alloc : memref<!tpu.dma_semaphore, #tpu.memory_space<semaphore_mem>>
      %dma_start3A_59 = arith.constant 0 : i32
      %dma_start3A_60 = arith.constant 0 : i32
      %dma_start3A_61 = tpu.memref_slice %arg14[%dma_start3A_59, %dma_start3A_60] : memref<10240x128xf32, #tpu.memory_space<vmem_shared>> -> memref<10240x128xf32, #tpu.memory_space<vmem_shared>>
      tpu.enqueue_indirect_dma source(%arg11 : memref<80x128xf32, #tpu.memory_space<vmem>>) target(%dma_start3A_61 : memref<10240x128xf32, #tpu.memory_space<vmem_shared>>) offsets(%arg8 : memref<80xi32, #tpu.memory_space<vmem>>) semaphore(%run_scoped3A : memref<!tpu.dma_semaphore, #tpu.memory_space<semaphore_mem>>) {add = true}
      %dma_wait3A_62 = arith.constant 0 : i32
      %dma_wait3A_63 = arith.constant 0 : i32
      %dma_wait3A_64 = tpu.memref_slice %arg14[%dma_wait3A_62, %dma_wait3A_63] : memref<10240x128xf32, #tpu.memory_space<vmem_shared>> -> memref<10240x128xf32, #tpu.memory_space<vmem_shared>>
      tpu.wait_indirect_dma semaphore(%run_scoped3A : memref<!tpu.dma_semaphore, #tpu.memory_space<semaphore_mem>>) src(%arg11 : memref<80x128xf32, #tpu.memory_space<vmem>>) dst(%dma_wait3A_64 : memref<10240x128xf32, #tpu.memory_space<vmem_shared>>)
      tpu.yield
    }) : () -> ()
    %dma_wait3A_45 = arith.constant 0 : i32
    %dma_wait3A_46 = tpu.memref_slice %arg7[%dma_wait3A_45] : memref<10000xi32, #tpu.memory_space<vmem>> -> memref<80xi32, #tpu.memory_space<vmem>>
    %dma_wait3A_47 = arith.constant 0 : i32
    %dma_wait3A_48 = arith.constant 0 : i32
    %dma_wait3A_49 = tpu.memref_slice %arg2[%dma_wait3A_47, %dma_wait3A_48] : memref<10000x128xf32, #tpu.memory_space<hbm>> -> memref<10000x128xf32, #tpu.memory_space<hbm>>
    tpu.wait_indirect_dma semaphore(%arg16 : memref<!tpu.dma_semaphore, #tpu.memory_space<semaphore_mem>>) src(%dma_wait3A_49 : memref<10000x128xf32, #tpu.memory_space<hbm>>) dst(%arg12 : memref<80x128xf32, #tpu.memory_space<vmem>>)
    %dma_wait3A_50 = arith.constant 0 : i32
    %dma_wait3A_51 = tpu.memref_slice %arg4[%dma_wait3A_50] : memref<320000xi32, #tpu.memory_space<hbm>> -> memref<80xi32, #tpu.memory_space<hbm>>
    %dma_wait3A_52 = arith.constant 0 : i32
    %dma_wait3A_53 = tpu.memref_slice %arg4[%dma_wait3A_52] : memref<320000xi32, #tpu.memory_space<hbm>> -> memref<80xi32, #tpu.memory_space<hbm>>
    tpu.wait_dma2 semaphore(%arg19 : memref<!tpu.dma_semaphore, #tpu.memory_space<semaphore_mem>>) src(%dma_wait3A_53 : memref<80xi32, #tpu.memory_space<hbm>>) dst(%arg9 : memref<80xi32, #tpu.memory_space<vmem>>)
    "tpu.region"() ({
      %run_scoped3A = tpu.sem_alloc : memref<!tpu.dma_semaphore, #tpu.memory_space<semaphore_mem>>
      %dma_start3A_59 = arith.constant 0 : i32
      %dma_start3A_60 = arith.constant 0 : i32
      %dma_start3A_61 = tpu.memref_slice %arg14[%dma_start3A_59, %dma_start3A_60] : memref<10240x128xf32, #tpu.memory_space<vmem_shared>> -> memref<10240x128xf32, #tpu.memory_space<vmem_shared>>
      tpu.enqueue_indirect_dma source(%arg12 : memref<80x128xf32, #tpu.memory_space<vmem>>) target(%dma_start3A_61 : memref<10240x128xf32, #tpu.memory_space<vmem_shared>>) offsets(%arg9 : memref<80xi32, #tpu.memory_space<vmem>>) semaphore(%run_scoped3A : memref<!tpu.dma_semaphore, #tpu.memory_space<semaphore_mem>>) {add = true}
      %dma_wait3A_62 = arith.constant 0 : i32
      %dma_wait3A_63 = arith.constant 0 : i32
      %dma_wait3A_64 = tpu.memref_slice %arg14[%dma_wait3A_62, %dma_wait3A_63] : memref<10240x128xf32, #tpu.memory_space<vmem_shared>> -> memref<10240x128xf32, #tpu.memory_space<vmem_shared>>
      tpu.wait_indirect_dma semaphore(%run_scoped3A : memref<!tpu.dma_semaphore, #tpu.memory_space<semaphore_mem>>) src(%arg12 : memref<80x128xf32, #tpu.memory_space<vmem>>) dst(%dma_wait3A_64 : memref<10240x128xf32, #tpu.memory_space<vmem_shared>>)
      tpu.yield
    }) : () -> ()
    %barrier3A_54 = arith.constant 0 : index
    tpu.barrier barrier_id(%barrier3A_54)
    %mul3A_55 = arith.constant 640 : i32
    %mul3A_56 = arith.muli %arg1, %mul3A_55 : i32
    %mul3A_57 = arith.constant 640 : i32
    %mul3A_58 = arith.muli %arg1, %mul3A_57 : i32
    "tpu.region"() ({
      %run_scoped3A = tpu.sem_alloc : memref<!tpu.dma_semaphore, #tpu.memory_space<semaphore_mem>>
      %dma_start3A_59 = arith.constant 0 : i32
      %dma_start3A_60 = tpu.memref_slice %arg6[%arg0, %mul3A_58, %dma_start3A_59] : memref<2x10240x128xf32, #tpu.memory_space<hbm>> -> memref<1x640x128xf32, #tpu.memory_space<hbm>>
      %dma_start3A_61 = tpu.memref_squeeze %dma_start3A_60 : memref<1x640x128xf32, #tpu.memory_space<hbm>> -> memref<640x128xf32, #tpu.memory_space<hbm>>
      %dma_start3A_62 = arith.constant 0 : i32
      %dma_start3A_63 = tpu.memref_slice %arg14[%mul3A_56, %dma_start3A_62] : memref<10240x128xf32, #tpu.memory_space<vmem_shared>> -> memref<640x128xf32, #tpu.memory_space<vmem_shared>>
      tpu.enqueue_dma source(%dma_start3A_63 : memref<640x128xf32, #tpu.memory_space<vmem_shared>>) target(%dma_start3A_61 : memref<640x128xf32, #tpu.memory_space<hbm>>) target_semaphore(%run_scoped3A : memref<!tpu.dma_semaphore, #tpu.memory_space<semaphore_mem>>)
      %dma_wait3A_64 = arith.constant 0 : i32
      %dma_wait3A_65 = tpu.memref_slice %arg6[%arg0, %mul3A_58, %dma_wait3A_64] : memref<2x10240x128xf32, #tpu.memory_space<hbm>> -> memref<1x640x128xf32, #tpu.memory_space<hbm>>
      %dma_wait3A_66 = tpu.memref_squeeze %dma_wait3A_65 : memref<1x640x128xf32, #tpu.memory_space<hbm>> -> memref<640x128xf32, #tpu.memory_space<hbm>>
      %dma_wait3A_67 = arith.constant 0 : i32
      %dma_wait3A_68 = tpu.memref_slice %arg14[%mul3A_56, %dma_wait3A_67] : memref<10240x128xf32, #tpu.memory_space<vmem_shared>> -> memref<640x128xf32, #tpu.memory_space<vmem_shared>>
      tpu.wait_dma2 semaphore(%run_scoped3A : memref<!tpu.dma_semaphore, #tpu.memory_space<semaphore_mem>>) src(%dma_wait3A_68 : memref<640x128xf32, #tpu.memory_space<vmem_shared>>) dst(%dma_wait3A_66 : memref<640x128xf32, #tpu.memory_space<hbm>>)
      tpu.yield
    }) : () -> ()
    return
  }
}

#map = affine_map<(d0, d1) -> (0, 0)>
#map1 = affine_map<(d0, d1) -> (0)>
#map2 = affine_map<(d0, d1) -> (0, 0, 0)>
module attributes {stable_mosaic.version = 14 : i64} {
  func.func @agg_kernel(%arg0: i32, %arg1: i32, %arg2: memref<10000x128xf32, #tpu.memory_space<hbm>>, %arg3: memref<32x10000xi32, #tpu.memory_space<hbm>>, %arg4: memref<320000xi32, #tpu.memory_space<hbm>>, %arg5: memref<640x128xf32, #tpu.memory_space<hbm>>, %arg6: memref<2x10240x128xf32, #tpu.memory_space<hbm>>, %arg7: memref<10000xi32, #tpu.memory_space<vmem>>, %arg8: memref<80xi32, #tpu.memory_space<vmem>>, %arg9: memref<80xi32, #tpu.memory_space<vmem>>, %arg10: memref<80xi32, #tpu.memory_space<vmem>>, %arg11: memref<80x128xf32, #tpu.memory_space<vmem>>, %arg12: memref<80x128xf32, #tpu.memory_space<vmem>>, %arg13: memref<80x128xf32, #tpu.memory_space<vmem>>, %arg14: memref<10240x128xf32, #tpu.memory_space<vmem_shared>>, %arg15: memref<!tpu.dma_semaphore, #tpu.memory_space<semaphore_mem>>, %arg16: memref<!tpu.dma_semaphore, #tpu.memory_space<semaphore_mem>>, %arg17: memref<!tpu.dma_semaphore, #tpu.memory_space<semaphore_mem>>, %arg18: memref<!tpu.dma_semaphore, #tpu.memory_space<semaphore_mem>>, %arg19: memref<!tpu.dma_semaphore, #tpu.memory_space<semaphore_mem>>, %arg20: memref<!tpu.dma_semaphore, #tpu.memory_space<semaphore_mem>>) attributes {dimension_semantics = [#tpu.dimension_semantics<core_parallel>, #tpu.dimension_semantics<subcore_parallel>], iteration_bounds = array<i64: 2, 16>, scalar_prefetch = 0 : i64, scratch_operands = 14 : i64, tpu.core_type = #tpu.core_type<sc_vector_subcore>, window_params = [{transform_indices = #map}, {transform_indices = #map}, {transform_indices = #map1}, {transform_indices = #map}, {transform_indices = #map2}]} {
    %mul3A = arith.constant 16 : i32
    %mul3A_0 = arith.muli %arg0, %mul3A : i32
    %add3A = arith.addi %mul3A_0, %arg1 : i32
    %mul3A_1 = arith.constant 10000 : i32
    %mul3A_2 = arith.muli %add3A, %mul3A_1 : i32
    %mul3A_3 = arith.constant 640 : i32
    %mul3A_4 = arith.muli %arg1, %mul3A_3 : i32
    "tpu.region"() ({
      %run_scoped3A = tpu.sem_alloc : memref<!tpu.dma_semaphore, #tpu.memory_space<semaphore_mem>>
      %dma_start3A_59 = arith.constant 0 : i32
      %dma_start3A_60 = tpu.memref_slice %arg14[%mul3A_4, %dma_start3A_59] : memref<10240x128xf32, #tpu.memory_space<vmem_shared>> -> memref<640x128xf32, #tpu.memory_space<vmem_shared>>
      tpu.enqueue_dma source(%arg5 : memref<640x128xf32, #tpu.memory_space<hbm>>) target(%dma_start3A_60 : memref<640x128xf32, #tpu.memory_space<vmem_shared>>) target_semaphore(%run_scoped3A : memref<!tpu.dma_semaphore, #tpu.memory_space<semaphore_mem>>)
      %dma_wait3A_61 = arith.constant 0 : i32
      %dma_wait3A_62 = tpu.memref_slice %arg14[%mul3A_4, %dma_wait3A_61] : memref<10240x128xf32, #tpu.memory_space<vmem_shared>> -> memref<640x128xf32, #tpu.memory_space<vmem_shared>>
      tpu.wait_dma2 semaphore(%run_scoped3A : memref<!tpu.dma_semaphore, #tpu.memory_space<semaphore_mem>>) src(%arg5 : memref<640x128xf32, #tpu.memory_space<hbm>>) dst(%dma_wait3A_62 : memref<640x128xf32, #tpu.memory_space<vmem_shared>>)
      tpu.yield
    }) : () -> ()
    "tpu.region"() ({
      %run_scoped3A = tpu.sem_alloc : memref<!tpu.dma_semaphore, #tpu.memory_space<semaphore_mem>>
      %dma_start3A_59 = arith.constant 0 : i32
      %dma_start3A_60 = tpu.memref_slice %arg3[%add3A, %dma_start3A_59] : memref<32x10000xi32, #tpu.memory_space<hbm>> -> memref<1x10000xi32, #tpu.memory_space<hbm>>
      %dma_start3A_61 = tpu.memref_squeeze %dma_start3A_60 : memref<1x10000xi32, #tpu.memory_space<hbm>> -> memref<10000xi32, #tpu.memory_space<hbm>>
      %dma_start3A_62 = arith.constant 0 : i32
      %dma_start3A_63 = tpu.memref_slice %arg3[%add3A, %dma_start3A_62] : memref<32x10000xi32, #tpu.memory_space<hbm>> -> memref<1x10000xi32, #tpu.memory_space<hbm>>
      %dma_start3A_64 = tpu.memref_squeeze %dma_start3A_63 : memref<1x10000xi32, #tpu.memory_space<hbm>> -> memref<10000xi32, #tpu.memory_space<hbm>>
      tpu.enqueue_dma source(%dma_start3A_64 : memref<10000xi32, #tpu.memory_space<hbm>>) target(%arg7 : memref<10000xi32, #tpu.memory_space<vmem>>) target_semaphore(%run_scoped3A : memref<!tpu.dma_semaphore, #tpu.memory_space<semaphore_mem>>)
      %dma_wait3A_65 = arith.constant 0 : i32
      %dma_wait3A_66 = tpu.memref_slice %arg3[%add3A, %dma_wait3A_65] : memref<32x10000xi32, #tpu.memory_space<hbm>> -> memref<1x10000xi32, #tpu.memory_space<hbm>>
      %dma_wait3A_67 = tpu.memref_squeeze %dma_wait3A_66 : memref<1x10000xi32, #tpu.memory_space<hbm>> -> memref<10000xi32, #tpu.memory_space<hbm>>
      %dma_wait3A_68 = arith.constant 0 : i32
      %dma_wait3A_69 = tpu.memref_slice %arg3[%add3A, %dma_wait3A_68] : memref<32x10000xi32, #tpu.memory_space<hbm>> -> memref<1x10000xi32, #tpu.memory_space<hbm>>
      %dma_wait3A_70 = tpu.memref_squeeze %dma_wait3A_69 : memref<1x10000xi32, #tpu.memory_space<hbm>> -> memref<10000xi32, #tpu.memory_space<hbm>>
      tpu.wait_dma2 semaphore(%run_scoped3A : memref<!tpu.dma_semaphore, #tpu.memory_space<semaphore_mem>>) src(%dma_wait3A_70 : memref<10000xi32, #tpu.memory_space<hbm>>) dst(%arg7 : memref<10000xi32, #tpu.memory_space<vmem>>)
      tpu.yield
    }) : () -> ()
    %barrier3A = arith.constant 0 : index
    tpu.barrier barrier_id(%barrier3A)
    %multiple_of3A = arith.constant 0 : i32
    %multiple_of3A_5 = tpu.assume_multiple %multiple_of3A, 8 : i32
    %dma_start3A = tpu.memref_slice %arg7[%multiple_of3A_5] : memref<10000xi32, #tpu.memory_space<vmem>> -> memref<80xi32, #tpu.memory_space<vmem>>
    %dma_start3A_6 = arith.constant 0 : i32
    %dma_start3A_7 = arith.constant 0 : i32
    %dma_start3A_8 = tpu.memref_slice %arg2[%dma_start3A_6, %dma_start3A_7] : memref<10000x128xf32, #tpu.memory_space<hbm>> -> memref<10000x128xf32, #tpu.memory_space<hbm>>
    tpu.enqueue_indirect_dma source(%dma_start3A_8 : memref<10000x128xf32, #tpu.memory_space<hbm>>) target(%arg11 : memref<80x128xf32, #tpu.memory_space<vmem>>) offsets(%dma_start3A : memref<80xi32, #tpu.memory_space<vmem>>) semaphore(%arg15 : memref<!tpu.dma_semaphore, #tpu.memory_space<semaphore_mem>>)
    %add3A_9 = arith.constant 0 : i32
    %add3A_10 = arith.addi %mul3A_2, %add3A_9 : i32
    %dma_start3A_11 = tpu.memref_slice %arg4[%add3A_10] : memref<320000xi32, #tpu.memory_space<hbm>> -> memref<80xi32, #tpu.memory_space<hbm>>
    %dma_start3A_12 = tpu.memref_slice %arg4[%add3A_10] : memref<320000xi32, #tpu.memory_space<hbm>> -> memref<80xi32, #tpu.memory_space<hbm>>
    tpu.enqueue_dma source(%dma_start3A_12 : memref<80xi32, #tpu.memory_space<hbm>>) target(%arg8 : memref<80xi32, #tpu.memory_space<vmem>>) target_semaphore(%arg18 : memref<!tpu.dma_semaphore, #tpu.memory_space<semaphore_mem>>)
    %multiple_of3A_13 = arith.constant 80 : i32
    %multiple_of3A_14 = tpu.assume_multiple %multiple_of3A_13, 8 : i32
    %dma_start3A_15 = tpu.memref_slice %arg7[%multiple_of3A_14] : memref<10000xi32, #tpu.memory_space<vmem>> -> memref<80xi32, #tpu.memory_space<vmem>>
    %dma_start3A_16 = arith.constant 0 : i32
    %dma_start3A_17 = arith.constant 0 : i32
    %dma_start3A_18 = tpu.memref_slice %arg2[%dma_start3A_16, %dma_start3A_17] : memref<10000x128xf32, #tpu.memory_space<hbm>> -> memref<10000x128xf32, #tpu.memory_space<hbm>>
    tpu.enqueue_indirect_dma source(%dma_start3A_18 : memref<10000x128xf32, #tpu.memory_space<hbm>>) target(%arg12 : memref<80x128xf32, #tpu.memory_space<vmem>>) offsets(%dma_start3A_15 : memref<80xi32, #tpu.memory_space<vmem>>) semaphore(%arg16 : memref<!tpu.dma_semaphore, #tpu.memory_space<semaphore_mem>>)
    %add3A_19 = arith.constant 80 : i32
    %add3A_20 = arith.addi %mul3A_2, %add3A_19 : i32
    %dma_start3A_21 = tpu.memref_slice %arg4[%add3A_20] : memref<320000xi32, #tpu.memory_space<hbm>> -> memref<80xi32, #tpu.memory_space<hbm>>
    %dma_start3A_22 = tpu.memref_slice %arg4[%add3A_20] : memref<320000xi32, #tpu.memory_space<hbm>> -> memref<80xi32, #tpu.memory_space<hbm>>
    tpu.enqueue_dma source(%dma_start3A_22 : memref<80xi32, #tpu.memory_space<hbm>>) target(%arg9 : memref<80xi32, #tpu.memory_space<vmem>>) target_semaphore(%arg19 : memref<!tpu.dma_semaphore, #tpu.memory_space<semaphore_mem>>)
    %multiple_of3A_23 = arith.constant 160 : i32
    %multiple_of3A_24 = tpu.assume_multiple %multiple_of3A_23, 8 : i32
    %dma_start3A_25 = tpu.memref_slice %arg7[%multiple_of3A_24] : memref<10000xi32, #tpu.memory_space<vmem>> -> memref<80xi32, #tpu.memory_space<vmem>>
    %dma_start3A_26 = arith.constant 0 : i32
    %dma_start3A_27 = arith.constant 0 : i32
    %dma_start3A_28 = tpu.memref_slice %arg2[%dma_start3A_26, %dma_start3A_27] : memref<10000x128xf32, #tpu.memory_space<hbm>> -> memref<10000x128xf32, #tpu.memory_space<hbm>>
    tpu.enqueue_indirect_dma source(%dma_start3A_28 : memref<10000x128xf32, #tpu.memory_space<hbm>>) target(%arg13 : memref<80x128xf32, #tpu.memory_space<vmem>>) offsets(%dma_start3A_25 : memref<80xi32, #tpu.memory_space<vmem>>) semaphore(%arg17 : memref<!tpu.dma_semaphore, #tpu.memory_space<semaphore_mem>>)
    %add3A_29 = arith.constant 160 : i32
    %add3A_30 = arith.addi %mul3A_2, %add3A_29 : i32
    %dma_start3A_31 = tpu.memref_slice %arg4[%add3A_30] : memref<320000xi32, #tpu.memory_space<hbm>> -> memref<80xi32, #tpu.memory_space<hbm>>
    %dma_start3A_32 = tpu.memref_slice %arg4[%add3A_30] : memref<320000xi32, #tpu.memory_space<hbm>> -> memref<80xi32, #tpu.memory_space<hbm>>
    tpu.enqueue_dma source(%dma_start3A_32 : memref<80xi32, #tpu.memory_space<hbm>>) target(%arg10 : memref<80xi32, #tpu.memory_space<vmem>>) target_semaphore(%arg20 : memref<!tpu.dma_semaphore, #tpu.memory_space<semaphore_mem>>)
    %scan3A = arith.constant 0 : i32
    %scan3A_33 = arith.constant 41 : i32
    %scan3A_34 = arith.addi %scan3A, %scan3A_33 : i32
    %scan3A_35 = arith.constant 1 : i32
    scf.for %scan3A_59 = %scan3A to %scan3A_34 step %scan3A_35  : i32 {
      %mul3A_60 = arith.constant 3 : i32
      %mul3A_61 = arith.muli %scan3A_59, %mul3A_60 : i32
      %add3A_62 = arith.constant 0 : i32
      %add3A_63 = arith.addi %add3A_62, %mul3A_61 : i32
      %dma_wait3A_64 = arith.constant 0 : i32
      %dma_wait3A_65 = tpu.memref_slice %arg7[%dma_wait3A_64] : memref<10000xi32, #tpu.memory_space<vmem>> -> memref<80xi32, #tpu.memory_space<vmem>>
      %dma_wait3A_66 = arith.constant 0 : i32
      %dma_wait3A_67 = arith.constant 0 : i32
      %dma_wait3A_68 = tpu.memref_slice %arg2[%dma_wait3A_66, %dma_wait3A_67] : memref<10000x128xf32, #tpu.memory_space<hbm>> -> memref<10000x128xf32, #tpu.memory_space<hbm>>
      tpu.wait_indirect_dma semaphore(%arg15 : memref<!tpu.dma_semaphore, #tpu.memory_space<semaphore_mem>>) src(%dma_wait3A_68 : memref<10000x128xf32, #tpu.memory_space<hbm>>) dst(%arg11 : memref<80x128xf32, #tpu.memory_space<vmem>>)
      %dma_wait3A_69 = arith.constant 0 : i32
      %dma_wait3A_70 = tpu.memref_slice %arg4[%dma_wait3A_69] : memref<320000xi32, #tpu.memory_space<hbm>> -> memref<80xi32, #tpu.memory_space<hbm>>
      %dma_wait3A_71 = arith.constant 0 : i32
      %dma_wait3A_72 = tpu.memref_slice %arg4[%dma_wait3A_71] : memref<320000xi32, #tpu.memory_space<hbm>> -> memref<80xi32, #tpu.memory_space<hbm>>
      tpu.wait_dma2 semaphore(%arg18 : memref<!tpu.dma_semaphore, #tpu.memory_space<semaphore_mem>>) src(%dma_wait3A_72 : memref<80xi32, #tpu.memory_space<hbm>>) dst(%arg8 : memref<80xi32, #tpu.memory_space<vmem>>)
      "tpu.region"() ({
        %run_scoped3A = tpu.sem_alloc : memref<!tpu.dma_semaphore, #tpu.memory_space<semaphore_mem>>
        %dma_start3A_123 = arith.constant 0 : i32
        %dma_start3A_124 = arith.constant 0 : i32
        %dma_start3A_125 = tpu.memref_slice %arg14[%dma_start3A_123, %dma_start3A_124] : memref<10240x128xf32, #tpu.memory_space<vmem_shared>> -> memref<10240x128xf32, #tpu.memory_space<vmem_shared>>
        tpu.enqueue_indirect_dma source(%arg11 : memref<80x128xf32, #tpu.memory_space<vmem>>) target(%dma_start3A_125 : memref<10240x128xf32, #tpu.memory_space<vmem_shared>>) offsets(%arg8 : memref<80xi32, #tpu.memory_space<vmem>>) semaphore(%run_scoped3A : memref<!tpu.dma_semaphore, #tpu.memory_space<semaphore_mem>>) {add = true}
        %dma_wait3A_126 = arith.constant 0 : i32
        %dma_wait3A_127 = arith.constant 0 : i32
        %dma_wait3A_128 = tpu.memref_slice %arg14[%dma_wait3A_126, %dma_wait3A_127] : memref<10240x128xf32, #tpu.memory_space<vmem_shared>> -> memref<10240x128xf32, #tpu.memory_space<vmem_shared>>
        tpu.wait_indirect_dma semaphore(%run_scoped3A : memref<!tpu.dma_semaphore, #tpu.memory_space<semaphore_mem>>) src(%arg11 : memref<80x128xf32, #tpu.memory_space<vmem>>) dst(%dma_wait3A_128 : memref<10240x128xf32, #tpu.memory_space<vmem_shared>>)
        tpu.yield
      }) : () -> ()
      %add3A_73 = arith.constant 3 : i32
      %add3A_74 = arith.addi %add3A_63, %add3A_73 : i32
      %mul3A_75 = arith.constant 80 : i32
      %mul3A_76 = arith.muli %add3A_74, %mul3A_75 : i32
      %multiple_of3A_77 = tpu.assume_multiple %mul3A_76, 8 : i32
      %dma_start3A_78 = tpu.memref_slice %arg7[%multiple_of3A_77] : memref<10000xi32, #tpu.memory_space<vmem>> -> memref<80xi32, #tpu.memory_space<vmem>>
      %dma_start3A_79 = arith.constant 0 : i32
      %dma_start3A_80 = arith.constant 0 : i32
      %dma_start3A_81 = tpu.memref_slice %arg2[%dma_start3A_79, %dma_start3A_80] : memref<10000x128xf32, #tpu.memory_space<hbm>> -> memref<10000x128xf32, #tpu.memory_space<hbm>>
      tpu.enqueue_indirect_dma source(%dma_start3A_81 : memref<10000x128xf32, #tpu.memory_space<hbm>>) target(%arg11 : memref<80x128xf32, #tpu.memory_space<vmem>>) offsets(%dma_start3A_78 : memref<80xi32, #tpu.memory_space<vmem>>) semaphore(%arg15 : memref<!tpu.dma_semaphore, #tpu.memory_space<semaphore_mem>>)
      %mul3A_82 = arith.constant 80 : i32
      %mul3A_83 = arith.muli %add3A_74, %mul3A_82 : i32
      %add3A_84 = arith.addi %mul3A_2, %mul3A_83 : i32
      %dma_start3A_85 = tpu.memref_slice %arg4[%add3A_84] : memref<320000xi32, #tpu.memory_space<hbm>> -> memref<80xi32, #tpu.memory_space<hbm>>
      %dma_start3A_86 = tpu.memref_slice %arg4[%add3A_84] : memref<320000xi32, #tpu.memory_space<hbm>> -> memref<80xi32, #tpu.memory_space<hbm>>
      tpu.enqueue_dma source(%dma_start3A_86 : memref<80xi32, #tpu.memory_space<hbm>>) target(%arg8 : memref<80xi32, #tpu.memory_space<vmem>>) target_semaphore(%arg18 : memref<!tpu.dma_semaphore, #tpu.memory_space<semaphore_mem>>)
      %dma_wait3A_87 = arith.constant 0 : i32
      %dma_wait3A_88 = tpu.memref_slice %arg7[%dma_wait3A_87] : memref<10000xi32, #tpu.memory_space<vmem>> -> memref<80xi32, #tpu.memory_space<vmem>>
      %dma_wait3A_89 = arith.constant 0 : i32
      %dma_wait3A_90 = arith.constant 0 : i32
      %dma_wait3A_91 = tpu.memref_slice %arg2[%dma_wait3A_89, %dma_wait3A_90] : memref<10000x128xf32, #tpu.memory_space<hbm>> -> memref<10000x128xf32, #tpu.memory_space<hbm>>
      tpu.wait_indirect_dma semaphore(%arg16 : memref<!tpu.dma_semaphore, #tpu.memory_space<semaphore_mem>>) src(%dma_wait3A_91 : memref<10000x128xf32, #tpu.memory_space<hbm>>) dst(%arg12 : memref<80x128xf32, #tpu.memory_space<vmem>>)
      %dma_wait3A_92 = arith.constant 0 : i32
      %dma_wait3A_93 = tpu.memref_slice %arg4[%dma_wait3A_92] : memref<320000xi32, #tpu.memory_space<hbm>> -> memref<80xi32, #tpu.memory_space<hbm>>
      %dma_wait3A_94 = arith.constant 0 : i32
      %dma_wait3A_95 = tpu.memref_slice %arg4[%dma_wait3A_94] : memref<320000xi32, #tpu.memory_space<hbm>> -> memref<80xi32, #tpu.memory_space<hbm>>
      tpu.wait_dma2 semaphore(%arg19 : memref<!tpu.dma_semaphore, #tpu.memory_space<semaphore_mem>>) src(%dma_wait3A_95 : memref<80xi32, #tpu.memory_space<hbm>>) dst(%arg9 : memref<80xi32, #tpu.memory_space<vmem>>)
      "tpu.region"() ({
        %run_scoped3A = tpu.sem_alloc : memref<!tpu.dma_semaphore, #tpu.memory_space<semaphore_mem>>
        %dma_start3A_123 = arith.constant 0 : i32
        %dma_start3A_124 = arith.constant 0 : i32
        %dma_start3A_125 = tpu.memref_slice %arg14[%dma_start3A_123, %dma_start3A_124] : memref<10240x128xf32, #tpu.memory_space<vmem_shared>> -> memref<10240x128xf32, #tpu.memory_space<vmem_shared>>
        tpu.enqueue_indirect_dma source(%arg12 : memref<80x128xf32, #tpu.memory_space<vmem>>) target(%dma_start3A_125 : memref<10240x128xf32, #tpu.memory_space<vmem_shared>>) offsets(%arg9 : memref<80xi32, #tpu.memory_space<vmem>>) semaphore(%run_scoped3A : memref<!tpu.dma_semaphore, #tpu.memory_space<semaphore_mem>>) {add = true}
        %dma_wait3A_126 = arith.constant 0 : i32
        %dma_wait3A_127 = arith.constant 0 : i32
        %dma_wait3A_128 = tpu.memref_slice %arg14[%dma_wait3A_126, %dma_wait3A_127] : memref<10240x128xf32, #tpu.memory_space<vmem_shared>> -> memref<10240x128xf32, #tpu.memory_space<vmem_shared>>
        tpu.wait_indirect_dma semaphore(%run_scoped3A : memref<!tpu.dma_semaphore, #tpu.memory_space<semaphore_mem>>) src(%arg12 : memref<80x128xf32, #tpu.memory_space<vmem>>) dst(%dma_wait3A_128 : memref<10240x128xf32, #tpu.memory_space<vmem_shared>>)
        tpu.yield
      }) : () -> ()
      %add3A_96 = arith.constant 4 : i32
      %add3A_97 = arith.addi %add3A_63, %add3A_96 : i32
      %mul3A_98 = arith.constant 80 : i32
      %mul3A_99 = arith.muli %add3A_97, %mul3A_98 : i32
      %multiple_of3A_100 = tpu.assume_multiple %mul3A_99, 8 : i32
      %dma_start3A_101 = tpu.memref_slice %arg7[%multiple_of3A_100] : memref<10000xi32, #tpu.memory_space<vmem>> -> memref<80xi32, #tpu.memory_space<vmem>>
      %dma_start3A_102 = arith.constant 0 : i32
      %dma_start3A_103 = arith.constant 0 : i32
      %dma_start3A_104 = tpu.memref_slice %arg2[%dma_start3A_102, %dma_start3A_103] : memref<10000x128xf32, #tpu.memory_space<hbm>> -> memref<10000x128xf32, #tpu.memory_space<hbm>>
      tpu.enqueue_indirect_dma source(%dma_start3A_104 : memref<10000x128xf32, #tpu.memory_space<hbm>>) target(%arg12 : memref<80x128xf32, #tpu.memory_space<vmem>>) offsets(%dma_start3A_101 : memref<80xi32, #tpu.memory_space<vmem>>) semaphore(%arg16 : memref<!tpu.dma_semaphore, #tpu.memory_space<semaphore_mem>>)
      %mul3A_105 = arith.constant 80 : i32
      %mul3A_106 = arith.muli %add3A_97, %mul3A_105 : i32
      %add3A_107 = arith.addi %mul3A_2, %mul3A_106 : i32
      %dma_start3A_108 = tpu.memref_slice %arg4[%add3A_107] : memref<320000xi32, #tpu.memory_space<hbm>> -> memref<80xi32, #tpu.memory_space<hbm>>
      %dma_start3A_109 = tpu.memref_slice %arg4[%add3A_107] : memref<320000xi32, #tpu.memory_space<hbm>> -> memref<80xi32, #tpu.memory_space<hbm>>
      tpu.enqueue_dma source(%dma_start3A_109 : memref<80xi32, #tpu.memory_space<hbm>>) target(%arg9 : memref<80xi32, #tpu.memory_space<vmem>>) target_semaphore(%arg19 : memref<!tpu.dma_semaphore, #tpu.memory_space<semaphore_mem>>)
      %dma_wait3A_110 = arith.constant 0 : i32
      %dma_wait3A_111 = tpu.memref_slice %arg7[%dma_wait3A_110] : memref<10000xi32, #tpu.memory_space<vmem>> -> memref<80xi32, #tpu.memory_space<vmem>>
      %dma_wait3A_112 = arith.constant 0 : i32
      %dma_wait3A_113 = arith.constant 0 : i32
      %dma_wait3A_114 = tpu.memref_slice %arg2[%dma_wait3A_112, %dma_wait3A_113] : memref<10000x128xf32, #tpu.memory_space<hbm>> -> memref<10000x128xf32, #tpu.memory_space<hbm>>
      tpu.wait_indirect_dma semaphore(%arg17 : memref<!tpu.dma_semaphore, #tpu.memory_space<semaphore_mem>>) src(%dma_wait3A_114 : memref<10000x128xf32, #tpu.memory_space<hbm>>) dst(%arg13 : memref<80x128xf32, #tpu.memory_space<vmem>>)
      %dma_wait3A_115 = arith.constant 0 : i32
      %dma_wait3A_116 = tpu.memref_slice %arg4[%dma_wait3A_115] : memref<320000xi32, #tpu.memory_space<hbm>> -> memref<80xi32, #tpu.memory_space<hbm>>
      %dma_wait3A_117 = arith.constant 0 : i32
      %dma_wait3A_118 = tpu.memref_slice %arg4[%dma_wait3A_117] : memref<320000xi32, #tpu.memory_space<hbm>> -> memref<80xi32, #tpu.memory_space<hbm>>
      tpu.wait_dma2 semaphore(%arg20 : memref<!tpu.dma_semaphore, #tpu.memory_space<semaphore_mem>>) src(%dma_wait3A_118 : memref<80xi32, #tpu.memory_space<hbm>>) dst(%arg10 : memref<80xi32, #tpu.memory_space<vmem>>)
      "tpu.region"() ({
        %run_scoped3A = tpu.sem_alloc : memref<!tpu.dma_semaphore, #tpu.memory_space<semaphore_mem>>
        %dma_start3A_123 = arith.constant 0 : i32
        %dma_start3A_124 = arith.constant 0 : i32
        %dma_start3A_125 = tpu.memref_slice %arg14[%dma_start3A_123, %dma_start3A_124] : memref<10240x128xf32, #tpu.memory_space<vmem_shared>> -> memref<10240x128xf32, #tpu.memory_space<vmem_shared>>
        tpu.enqueue_indirect_dma source(%arg13 : memref<80x128xf32, #tpu.memory_space<vmem>>) target(%dma_start3A_125 : memref<10240x128xf32, #tpu.memory_space<vmem_shared>>) offsets(%arg10 : memref<80xi32, #tpu.memory_space<vmem>>) semaphore(%run_scoped3A : memref<!tpu.dma_semaphore, #tpu.memory_space<semaphore_mem>>) {add = true}
        %dma_wait3A_126 = arith.constant 0 : i32
        %dma_wait3A_127 = arith.constant 0 : i32
        %dma_wait3A_128 = tpu.memref_slice %arg14[%dma_wait3A_126, %dma_wait3A_127] : memref<10240x128xf32, #tpu.memory_space<vmem_shared>> -> memref<10240x128xf32, #tpu.memory_space<vmem_shared>>
        tpu.wait_indirect_dma semaphore(%run_scoped3A : memref<!tpu.dma_semaphore, #tpu.memory_space<semaphore_mem>>) src(%arg13 : memref<80x128xf32, #tpu.memory_space<vmem>>) dst(%dma_wait3A_128 : memref<10240x128xf32, #tpu.memory_space<vmem_shared>>)
        tpu.yield
      }) : () -> ()
      %add3A_119 = arith.constant 5 : i32
      %add3A_120 = arith.addi %add3A_63, %add3A_119 : i32
      %lt3A = arith.constant 125 : i32
      %lt3A_121 = arith.cmpi slt, %add3A_120, %lt3A : i32
      %convert_element_type3A = arith.extui %lt3A_121 : i1 to i32
      %cond3A = arith.constant 0 : i32
      %cond3A_122 = arith.cmpi ne, %convert_element_type3A, %cond3A : i32
      scf.if %cond3A_122 {
        %add3A_123 = arith.constant 5 : i32
        %add3A_124 = arith.addi %add3A_63, %add3A_123 : i32
        %mul3A_125 = arith.constant 80 : i32
        %mul3A_126 = arith.muli %add3A_124, %mul3A_125 : i32
        %multiple_of3A_127 = tpu.assume_multiple %mul3A_126, 8 : i32
        %dma_start3A_128 = tpu.memref_slice %arg7[%multiple_of3A_127] : memref<10000xi32, #tpu.memory_space<vmem>> -> memref<80xi32, #tpu.memory_space<vmem>>
        %dma_start3A_129 = arith.constant 0 : i32
        %dma_start3A_130 = arith.constant 0 : i32
        %dma_start3A_131 = tpu.memref_slice %arg2[%dma_start3A_129, %dma_start3A_130] : memref<10000x128xf32, #tpu.memory_space<hbm>> -> memref<10000x128xf32, #tpu.memory_space<hbm>>
        tpu.enqueue_indirect_dma source(%dma_start3A_131 : memref<10000x128xf32, #tpu.memory_space<hbm>>) target(%arg13 : memref<80x128xf32, #tpu.memory_space<vmem>>) offsets(%dma_start3A_128 : memref<80xi32, #tpu.memory_space<vmem>>) semaphore(%arg17 : memref<!tpu.dma_semaphore, #tpu.memory_space<semaphore_mem>>)
        %mul3A_132 = arith.constant 80 : i32
        %mul3A_133 = arith.muli %add3A_124, %mul3A_132 : i32
        %add3A_134 = arith.addi %mul3A_2, %mul3A_133 : i32
        %dma_start3A_135 = tpu.memref_slice %arg4[%add3A_134] : memref<320000xi32, #tpu.memory_space<hbm>> -> memref<80xi32, #tpu.memory_space<hbm>>
        %dma_start3A_136 = tpu.memref_slice %arg4[%add3A_134] : memref<320000xi32, #tpu.memory_space<hbm>> -> memref<80xi32, #tpu.memory_space<hbm>>
        tpu.enqueue_dma source(%dma_start3A_136 : memref<80xi32, #tpu.memory_space<hbm>>) target(%arg10 : memref<80xi32, #tpu.memory_space<vmem>>) target_semaphore(%arg20 : memref<!tpu.dma_semaphore, #tpu.memory_space<semaphore_mem>>)
      } else {
      }
    }
    %scan3A_36 = arith.constant 41 : i32
    %dma_wait3A = arith.constant 0 : i32
    %dma_wait3A_37 = tpu.memref_slice %arg7[%dma_wait3A] : memref<10000xi32, #tpu.memory_space<vmem>> -> memref<80xi32, #tpu.memory_space<vmem>>
    %dma_wait3A_38 = arith.constant 0 : i32
    %dma_wait3A_39 = arith.constant 0 : i32
    %dma_wait3A_40 = tpu.memref_slice %arg2[%dma_wait3A_38, %dma_wait3A_39] : memref<10000x128xf32, #tpu.memory_space<hbm>> -> memref<10000x128xf32, #tpu.memory_space<hbm>>
    tpu.wait_indirect_dma semaphore(%arg15 : memref<!tpu.dma_semaphore, #tpu.memory_space<semaphore_mem>>) src(%dma_wait3A_40 : memref<10000x128xf32, #tpu.memory_space<hbm>>) dst(%arg11 : memref<80x128xf32, #tpu.memory_space<vmem>>)
    %dma_wait3A_41 = arith.constant 0 : i32
    %dma_wait3A_42 = tpu.memref_slice %arg4[%dma_wait3A_41] : memref<320000xi32, #tpu.memory_space<hbm>> -> memref<80xi32, #tpu.memory_space<hbm>>
    %dma_wait3A_43 = arith.constant 0 : i32
    %dma_wait3A_44 = tpu.memref_slice %arg4[%dma_wait3A_43] : memref<320000xi32, #tpu.memory_space<hbm>> -> memref<80xi32, #tpu.memory_space<hbm>>
    tpu.wait_dma2 semaphore(%arg18 : memref<!tpu.dma_semaphore, #tpu.memory_space<semaphore_mem>>) src(%dma_wait3A_44 : memref<80xi32, #tpu.memory_space<hbm>>) dst(%arg8 : memref<80xi32, #tpu.memory_space<vmem>>)
    "tpu.region"() ({
      %run_scoped3A = tpu.sem_alloc : memref<!tpu.dma_semaphore, #tpu.memory_space<semaphore_mem>>
      %dma_start3A_59 = arith.constant 0 : i32
      %dma_start3A_60 = arith.constant 0 : i32
      %dma_start3A_61 = tpu.memref_slice %arg14[%dma_start3A_59, %dma_start3A_60] : memref<10240x128xf32, #tpu.memory_space<vmem_shared>> -> memref<10240x128xf32, #tpu.memory_space<vmem_shared>>
      tpu.enqueue_indirect_dma source(%arg11 : memref<80x128xf32, #tpu.memory_space<vmem>>) target(%dma_start3A_61 : memref<10240x128xf32, #tpu.memory_space<vmem_shared>>) offsets(%arg8 : memref<80xi32, #tpu.memory_space<vmem>>) semaphore(%run_scoped3A : memref<!tpu.dma_semaphore, #tpu.memory_space<semaphore_mem>>) {add = true}
      %dma_wait3A_62 = arith.constant 0 : i32
      %dma_wait3A_63 = arith.constant 0 : i32
      %dma_wait3A_64 = tpu.memref_slice %arg14[%dma_wait3A_62, %dma_wait3A_63] : memref<10240x128xf32, #tpu.memory_space<vmem_shared>> -> memref<10240x128xf32, #tpu.memory_space<vmem_shared>>
      tpu.wait_indirect_dma semaphore(%run_scoped3A : memref<!tpu.dma_semaphore, #tpu.memory_space<semaphore_mem>>) src(%arg11 : memref<80x128xf32, #tpu.memory_space<vmem>>) dst(%dma_wait3A_64 : memref<10240x128xf32, #tpu.memory_space<vmem_shared>>)
      tpu.yield
    }) : () -> ()
    %dma_wait3A_45 = arith.constant 0 : i32
    %dma_wait3A_46 = tpu.memref_slice %arg7[%dma_wait3A_45] : memref<10000xi32, #tpu.memory_space<vmem>> -> memref<80xi32, #tpu.memory_space<vmem>>
    %dma_wait3A_47 = arith.constant 0 : i32
    %dma_wait3A_48 = arith.constant 0 : i32
    %dma_wait3A_49 = tpu.memref_slice %arg2[%dma_wait3A_47, %dma_wait3A_48] : memref<10000x128xf32, #tpu.memory_space<hbm>> -> memref<10000x128xf32, #tpu.memory_space<hbm>>
    tpu.wait_indirect_dma semaphore(%arg16 : memref<!tpu.dma_semaphore, #tpu.memory_space<semaphore_mem>>) src(%dma_wait3A_49 : memref<10000x128xf32, #tpu.memory_space<hbm>>) dst(%arg12 : memref<80x128xf32, #tpu.memory_space<vmem>>)
    %dma_wait3A_50 = arith.constant 0 : i32
    %dma_wait3A_51 = tpu.memref_slice %arg4[%dma_wait3A_50] : memref<320000xi32, #tpu.memory_space<hbm>> -> memref<80xi32, #tpu.memory_space<hbm>>
    %dma_wait3A_52 = arith.constant 0 : i32
    %dma_wait3A_53 = tpu.memref_slice %arg4[%dma_wait3A_52] : memref<320000xi32, #tpu.memory_space<hbm>> -> memref<80xi32, #tpu.memory_space<hbm>>
    tpu.wait_dma2 semaphore(%arg19 : memref<!tpu.dma_semaphore, #tpu.memory_space<semaphore_mem>>) src(%dma_wait3A_53 : memref<80xi32, #tpu.memory_space<hbm>>) dst(%arg9 : memref<80xi32, #tpu.memory_space<vmem>>)
    "tpu.region"() ({
      %run_scoped3A = tpu.sem_alloc : memref<!tpu.dma_semaphore, #tpu.memory_space<semaphore_mem>>
      %dma_start3A_59 = arith.constant 0 : i32
      %dma_start3A_60 = arith.constant 0 : i32
      %dma_start3A_61 = tpu.memref_slice %arg14[%dma_start3A_59, %dma_start3A_60] : memref<10240x128xf32, #tpu.memory_space<vmem_shared>> -> memref<10240x128xf32, #tpu.memory_space<vmem_shared>>
      tpu.enqueue_indirect_dma source(%arg12 : memref<80x128xf32, #tpu.memory_space<vmem>>) target(%dma_start3A_61 : memref<10240x128xf32, #tpu.memory_space<vmem_shared>>) offsets(%arg9 : memref<80xi32, #tpu.memory_space<vmem>>) semaphore(%run_scoped3A : memref<!tpu.dma_semaphore, #tpu.memory_space<semaphore_mem>>) {add = true}
      %dma_wait3A_62 = arith.constant 0 : i32
      %dma_wait3A_63 = arith.constant 0 : i32
      %dma_wait3A_64 = tpu.memref_slice %arg14[%dma_wait3A_62, %dma_wait3A_63] : memref<10240x128xf32, #tpu.memory_space<vmem_shared>> -> memref<10240x128xf32, #tpu.memory_space<vmem_shared>>
      tpu.wait_indirect_dma semaphore(%run_scoped3A : memref<!tpu.dma_semaphore, #tpu.memory_space<semaphore_mem>>) src(%arg12 : memref<80x128xf32, #tpu.memory_space<vmem>>) dst(%dma_wait3A_64 : memref<10240x128xf32, #tpu.memory_space<vmem_shared>>)
      tpu.yield
    }) : () -> ()
    %barrier3A_54 = arith.constant 0 : index
    tpu.barrier barrier_id(%barrier3A_54)
    %mul3A_55 = arith.constant 640 : i32
    %mul3A_56 = arith.muli %arg1, %mul3A_55 : i32
    %mul3A_57 = arith.constant 640 : i32
    %mul3A_58 = arith.muli %arg1, %mul3A_57 : i32
    "tpu.region"() ({
      %run_scoped3A = tpu.sem_alloc : memref<!tpu.dma_semaphore, #tpu.memory_space<semaphore_mem>>
      %dma_start3A_59 = arith.constant 0 : i32
      %dma_start3A_60 = tpu.memref_slice %arg6[%arg0, %mul3A_58, %dma_start3A_59] : memref<2x10240x128xf32, #tpu.memory_space<hbm>> -> memref<1x640x128xf32, #tpu.memory_space<hbm>>
      %dma_start3A_61 = tpu.memref_squeeze %dma_start3A_60 : memref<1x640x128xf32, #tpu.memory_space<hbm>> -> memref<640x128xf32, #tpu.memory_space<hbm>>
      %dma_start3A_62 = arith.constant 0 : i32
      %dma_start3A_63 = tpu.memref_slice %arg14[%mul3A_56, %dma_start3A_62] : memref<10240x128xf32, #tpu.memory_space<vmem_shared>> -> memref<640x128xf32, #tpu.memory_space<vmem_shared>>
      tpu.enqueue_dma source(%dma_start3A_63 : memref<640x128xf32, #tpu.memory_space<vmem_shared>>) target(%dma_start3A_61 : memref<640x128xf32, #tpu.memory_space<hbm>>) target_semaphore(%run_scoped3A : memref<!tpu.dma_semaphore, #tpu.memory_space<semaphore_mem>>)
      %dma_wait3A_64 = arith.constant 0 : i32
      %dma_wait3A_65 = tpu.memref_slice %arg6[%arg0, %mul3A_58, %dma_wait3A_64] : memref<2x10240x128xf32, #tpu.memory_space<hbm>> -> memref<1x640x128xf32, #tpu.memory_space<hbm>>
      %dma_wait3A_66 = tpu.memref_squeeze %dma_wait3A_65 : memref<1x640x128xf32, #tpu.memory_space<hbm>> -> memref<640x128xf32, #tpu.memory_space<hbm>>
      %dma_wait3A_67 = arith.constant 0 : i32
      %dma_wait3A_68 = tpu.memref_slice %arg14[%mul3A_56, %dma_wait3A_67] : memref<10240x128xf32, #tpu.memory_space<vmem_shared>> -> memref<640x128xf32, #tpu.memory_space<vmem_shared>>
      tpu.wait_dma2 semaphore(%run_scoped3A : memref<!tpu.dma_semaphore, #tpu.memory_space<semaphore_mem>>) src(%dma_wait3A_68 : memref<640x128xf32, #tpu.memory_space<vmem_shared>>) dst(%dma_wait3A_66 : memref<640x128xf32, #tpu.memory_space<hbm>>)
      tpu.yield
    }) : () -> ()
    return
  }
}

#map = affine_map<(d0, d1) -> (0)>
#map1 = affine_map<(d0, d1) -> (0, 0)>
#map2 = affine_map<(d0, d1) -> (0, 0, 0)>
module attributes {stable_mosaic.version = 14 : i64} {
  func.func @deg_kernel(%arg0: i32, %arg1: i32, %arg2: memref<320000xi32, #tpu.memory_space<hbm>>, %arg3: memref<80x128xf32, #tpu.memory_space<hbm>>, %arg4: memref<640x128xf32, #tpu.memory_space<hbm>>, %arg5: memref<2x10240x128xf32, #tpu.memory_space<hbm>>, %arg6: memref<80xi32, #tpu.memory_space<vmem>>, %arg7: memref<80xi32, #tpu.memory_space<vmem>>, %arg8: memref<80x128xf32, #tpu.memory_space<vmem>>, %arg9: memref<10240x128xf32, #tpu.memory_space<vmem_shared>>, %arg10: memref<!tpu.dma_semaphore, #tpu.memory_space<semaphore_mem>>, %arg11: memref<!tpu.dma_semaphore, #tpu.memory_space<semaphore_mem>>) attributes {dimension_semantics = [#tpu.dimension_semantics<core_parallel>, #tpu.dimension_semantics<subcore_parallel>], iteration_bounds = array<i64: 2, 16>, scalar_prefetch = 0 : i64, scratch_operands = 6 : i64, tpu.core_type = #tpu.core_type<sc_vector_subcore>, window_params = [{transform_indices = #map}, {transform_indices = #map1}, {transform_indices = #map1}, {transform_indices = #map2}]} {
    %mul3A = arith.constant 16 : i32
    %mul3A_0 = arith.muli %arg0, %mul3A : i32
    %add3A = arith.addi %mul3A_0, %arg1 : i32
    %mul3A_1 = arith.constant 10000 : i32
    %mul3A_2 = arith.muli %add3A, %mul3A_1 : i32
    %mul3A_3 = arith.constant 640 : i32
    %mul3A_4 = arith.muli %arg1, %mul3A_3 : i32
    "tpu.region"() ({
      %run_scoped3A = tpu.sem_alloc : memref<!tpu.dma_semaphore, #tpu.memory_space<semaphore_mem>>
      %dma_start3A_20 = arith.constant 0 : i32
      %dma_start3A_21 = tpu.memref_slice %arg9[%mul3A_4, %dma_start3A_20] : memref<10240x128xf32, #tpu.memory_space<vmem_shared>> -> memref<640x128xf32, #tpu.memory_space<vmem_shared>>
      tpu.enqueue_dma source(%arg4 : memref<640x128xf32, #tpu.memory_space<hbm>>) target(%dma_start3A_21 : memref<640x128xf32, #tpu.memory_space<vmem_shared>>) target_semaphore(%run_scoped3A : memref<!tpu.dma_semaphore, #tpu.memory_space<semaphore_mem>>)
      %dma_wait3A_22 = arith.constant 0 : i32
      %dma_wait3A_23 = tpu.memref_slice %arg9[%mul3A_4, %dma_wait3A_22] : memref<10240x128xf32, #tpu.memory_space<vmem_shared>> -> memref<640x128xf32, #tpu.memory_space<vmem_shared>>
      tpu.wait_dma2 semaphore(%run_scoped3A : memref<!tpu.dma_semaphore, #tpu.memory_space<semaphore_mem>>) src(%arg4 : memref<640x128xf32, #tpu.memory_space<hbm>>) dst(%dma_wait3A_23 : memref<640x128xf32, #tpu.memory_space<vmem_shared>>)
      tpu.yield
    }) : () -> ()
    "tpu.region"() ({
      %run_scoped3A = tpu.sem_alloc : memref<!tpu.dma_semaphore, #tpu.memory_space<semaphore_mem>>
      tpu.enqueue_dma source(%arg3 : memref<80x128xf32, #tpu.memory_space<hbm>>) target(%arg8 : memref<80x128xf32, #tpu.memory_space<vmem>>) target_semaphore(%run_scoped3A : memref<!tpu.dma_semaphore, #tpu.memory_space<semaphore_mem>>)
      tpu.wait_dma2 semaphore(%run_scoped3A : memref<!tpu.dma_semaphore, #tpu.memory_space<semaphore_mem>>) src(%arg3 : memref<80x128xf32, #tpu.memory_space<hbm>>) dst(%arg8 : memref<80x128xf32, #tpu.memory_space<vmem>>)
      tpu.yield
    }) : () -> ()
    %barrier3A = arith.constant 0 : index
    tpu.barrier barrier_id(%barrier3A)
    %add3A_5 = arith.constant 0 : i32
    %add3A_6 = arith.addi %mul3A_2, %add3A_5 : i32
    %dma_start3A = tpu.memref_slice %arg2[%add3A_6] : memref<320000xi32, #tpu.memory_space<hbm>> -> memref<80xi32, #tpu.memory_space<hbm>>
    %dma_start3A_7 = tpu.memref_slice %arg2[%add3A_6] : memref<320000xi32, #tpu.memory_space<hbm>> -> memref<80xi32, #tpu.memory_space<hbm>>
    tpu.enqueue_dma source(%dma_start3A_7 : memref<80xi32, #tpu.memory_space<hbm>>) target(%arg6 : memref<80xi32, #tpu.memory_space<vmem>>) target_semaphore(%arg10 : memref<!tpu.dma_semaphore, #tpu.memory_space<semaphore_mem>>)
    %scan3A = arith.constant 0 : i32
    %scan3A_8 = arith.constant 62 : i32
    %scan3A_9 = arith.addi %scan3A, %scan3A_8 : i32
    %scan3A_10 = arith.constant 1 : i32
    scf.for %scan3A_20 = %scan3A to %scan3A_9 step %scan3A_10  : i32 {
      %mul3A_21 = arith.constant 2 : i32
      %mul3A_22 = arith.muli %scan3A_20, %mul3A_21 : i32
      %add3A_23 = arith.constant 0 : i32
      %add3A_24 = arith.addi %add3A_23, %mul3A_22 : i32
      %add3A_25 = arith.constant 1 : i32
      %add3A_26 = arith.addi %add3A_24, %add3A_25 : i32
      %mul3A_27 = arith.constant 80 : i32
      %mul3A_28 = arith.muli %add3A_26, %mul3A_27 : i32
      %add3A_29 = arith.addi %mul3A_2, %mul3A_28 : i32
      %dma_start3A_30 = tpu.memref_slice %arg2[%add3A_29] : memref<320000xi32, #tpu.memory_space<hbm>> -> memref<80xi32, #tpu.memory_space<hbm>>
      %dma_start3A_31 = tpu.memref_slice %arg2[%add3A_29] : memref<320000xi32, #tpu.memory_space<hbm>> -> memref<80xi32, #tpu.memory_space<hbm>>
      tpu.enqueue_dma source(%dma_start3A_31 : memref<80xi32, #tpu.memory_space<hbm>>) target(%arg7 : memref<80xi32, #tpu.memory_space<vmem>>) target_semaphore(%arg11 : memref<!tpu.dma_semaphore, #tpu.memory_space<semaphore_mem>>)
      %dma_wait3A_32 = arith.constant 0 : i32
      %dma_wait3A_33 = tpu.memref_slice %arg2[%dma_wait3A_32] : memref<320000xi32, #tpu.memory_space<hbm>> -> memref<80xi32, #tpu.memory_space<hbm>>
      %dma_wait3A_34 = arith.constant 0 : i32
      %dma_wait3A_35 = tpu.memref_slice %arg2[%dma_wait3A_34] : memref<320000xi32, #tpu.memory_space<hbm>> -> memref<80xi32, #tpu.memory_space<hbm>>
      tpu.wait_dma2 semaphore(%arg10 : memref<!tpu.dma_semaphore, #tpu.memory_space<semaphore_mem>>) src(%dma_wait3A_35 : memref<80xi32, #tpu.memory_space<hbm>>) dst(%arg6 : memref<80xi32, #tpu.memory_space<vmem>>)
      "tpu.region"() ({
        %run_scoped3A = tpu.sem_alloc : memref<!tpu.dma_semaphore, #tpu.memory_space<semaphore_mem>>
        %dma_start3A_47 = arith.constant 0 : i32
        %dma_start3A_48 = arith.constant 0 : i32
        %dma_start3A_49 = tpu.memref_slice %arg9[%dma_start3A_47, %dma_start3A_48] : memref<10240x128xf32, #tpu.memory_space<vmem_shared>> -> memref<10240x128xf32, #tpu.memory_space<vmem_shared>>
        tpu.enqueue_indirect_dma source(%arg8 : memref<80x128xf32, #tpu.memory_space<vmem>>) target(%dma_start3A_49 : memref<10240x128xf32, #tpu.memory_space<vmem_shared>>) offsets(%arg6 : memref<80xi32, #tpu.memory_space<vmem>>) semaphore(%run_scoped3A : memref<!tpu.dma_semaphore, #tpu.memory_space<semaphore_mem>>) {add = true}
        %dma_wait3A_50 = arith.constant 0 : i32
        %dma_wait3A_51 = arith.constant 0 : i32
        %dma_wait3A_52 = tpu.memref_slice %arg9[%dma_wait3A_50, %dma_wait3A_51] : memref<10240x128xf32, #tpu.memory_space<vmem_shared>> -> memref<10240x128xf32, #tpu.memory_space<vmem_shared>>
        tpu.wait_indirect_dma semaphore(%run_scoped3A : memref<!tpu.dma_semaphore, #tpu.memory_space<semaphore_mem>>) src(%arg8 : memref<80x128xf32, #tpu.memory_space<vmem>>) dst(%dma_wait3A_52 : memref<10240x128xf32, #tpu.memory_space<vmem_shared>>)
        tpu.yield
      }) : () -> ()
      %add3A_36 = arith.constant 2 : i32
      %add3A_37 = arith.addi %add3A_24, %add3A_36 : i32
      %mul3A_38 = arith.constant 80 : i32
      %mul3A_39 = arith.muli %add3A_37, %mul3A_38 : i32
      %add3A_40 = arith.addi %mul3A_2, %mul3A_39 : i32
      %dma_start3A_41 = tpu.memref_slice %arg2[%add3A_40] : memref<320000xi32, #tpu.memory_space<hbm>> -> memref<80xi32, #tpu.memory_space<hbm>>
      %dma_start3A_42 = tpu.memref_slice %arg2[%add3A_40] : memref<320000xi32, #tpu.memory_space<hbm>> -> memref<80xi32, #tpu.memory_space<hbm>>
      tpu.enqueue_dma source(%dma_start3A_42 : memref<80xi32, #tpu.memory_space<hbm>>) target(%arg6 : memref<80xi32, #tpu.memory_space<vmem>>) target_semaphore(%arg10 : memref<!tpu.dma_semaphore, #tpu.memory_space<semaphore_mem>>)
      %dma_wait3A_43 = arith.constant 0 : i32
      %dma_wait3A_44 = tpu.memref_slice %arg2[%dma_wait3A_43] : memref<320000xi32, #tpu.memory_space<hbm>> -> memref<80xi32, #tpu.memory_space<hbm>>
      %dma_wait3A_45 = arith.constant 0 : i32
      %dma_wait3A_46 = tpu.memref_slice %arg2[%dma_wait3A_45] : memref<320000xi32, #tpu.memory_space<hbm>> -> memref<80xi32, #tpu.memory_space<hbm>>
      tpu.wait_dma2 semaphore(%arg11 : memref<!tpu.dma_semaphore, #tpu.memory_space<semaphore_mem>>) src(%dma_wait3A_46 : memref<80xi32, #tpu.memory_space<hbm>>) dst(%arg7 : memref<80xi32, #tpu.memory_space<vmem>>)
      "tpu.region"() ({
        %run_scoped3A = tpu.sem_alloc : memref<!tpu.dma_semaphore, #tpu.memory_space<semaphore_mem>>
        %dma_start3A_47 = arith.constant 0 : i32
        %dma_start3A_48 = arith.constant 0 : i32
        %dma_start3A_49 = tpu.memref_slice %arg9[%dma_start3A_47, %dma_start3A_48] : memref<10240x128xf32, #tpu.memory_space<vmem_shared>> -> memref<10240x128xf32, #tpu.memory_space<vmem_shared>>
        tpu.enqueue_indirect_dma source(%arg8 : memref<80x128xf32, #tpu.memory_space<vmem>>) target(%dma_start3A_49 : memref<10240x128xf32, #tpu.memory_space<vmem_shared>>) offsets(%arg7 : memref<80xi32, #tpu.memory_space<vmem>>) semaphore(%run_scoped3A : memref<!tpu.dma_semaphore, #tpu.memory_space<semaphore_mem>>) {add = true}
        %dma_wait3A_50 = arith.constant 0 : i32
        %dma_wait3A_51 = arith.constant 0 : i32
        %dma_wait3A_52 = tpu.memref_slice %arg9[%dma_wait3A_50, %dma_wait3A_51] : memref<10240x128xf32, #tpu.memory_space<vmem_shared>> -> memref<10240x128xf32, #tpu.memory_space<vmem_shared>>
        tpu.wait_indirect_dma semaphore(%run_scoped3A : memref<!tpu.dma_semaphore, #tpu.memory_space<semaphore_mem>>) src(%arg8 : memref<80x128xf32, #tpu.memory_space<vmem>>) dst(%dma_wait3A_52 : memref<10240x128xf32, #tpu.memory_space<vmem_shared>>)
        tpu.yield
      }) : () -> ()
    }
    %scan3A_11 = arith.constant 62 : i32
    %dma_wait3A = arith.constant 0 : i32
    %dma_wait3A_12 = tpu.memref_slice %arg2[%dma_wait3A] : memref<320000xi32, #tpu.memory_space<hbm>> -> memref<80xi32, #tpu.memory_space<hbm>>
    %dma_wait3A_13 = arith.constant 0 : i32
    %dma_wait3A_14 = tpu.memref_slice %arg2[%dma_wait3A_13] : memref<320000xi32, #tpu.memory_space<hbm>> -> memref<80xi32, #tpu.memory_space<hbm>>
    tpu.wait_dma2 semaphore(%arg10 : memref<!tpu.dma_semaphore, #tpu.memory_space<semaphore_mem>>) src(%dma_wait3A_14 : memref<80xi32, #tpu.memory_space<hbm>>) dst(%arg6 : memref<80xi32, #tpu.memory_space<vmem>>)
    "tpu.region"() ({
      %run_scoped3A = tpu.sem_alloc : memref<!tpu.dma_semaphore, #tpu.memory_space<semaphore_mem>>
      %dma_start3A_20 = arith.constant 0 : i32
      %dma_start3A_21 = arith.constant 0 : i32
      %dma_start3A_22 = tpu.memref_slice %arg9[%dma_start3A_20, %dma_start3A_21] : memref<10240x128xf32, #tpu.memory_space<vmem_shared>> -> memref<10240x128xf32, #tpu.memory_space<vmem_shared>>
      tpu.enqueue_indirect_dma source(%arg8 : memref<80x128xf32, #tpu.memory_space<vmem>>) target(%dma_start3A_22 : memref<10240x128xf32, #tpu.memory_space<vmem_shared>>) offsets(%arg6 : memref<80xi32, #tpu.memory_space<vmem>>) semaphore(%run_scoped3A : memref<!tpu.dma_semaphore, #tpu.memory_space<semaphore_mem>>) {add = true}
      %dma_wait3A_23 = arith.constant 0 : i32
      %dma_wait3A_24 = arith.constant 0 : i32
      %dma_wait3A_25 = tpu.memref_slice %arg9[%dma_wait3A_23, %dma_wait3A_24] : memref<10240x128xf32, #tpu.memory_space<vmem_shared>> -> memref<10240x128xf32, #tpu.memory_space<vmem_shared>>
      tpu.wait_indirect_dma semaphore(%run_scoped3A : memref<!tpu.dma_semaphore, #tpu.memory_space<semaphore_mem>>) src(%arg8 : memref<80x128xf32, #tpu.memory_space<vmem>>) dst(%dma_wait3A_25 : memref<10240x128xf32, #tpu.memory_space<vmem_shared>>)
      tpu.yield
    }) : () -> ()
    %barrier3A_15 = arith.constant 0 : index
    tpu.barrier barrier_id(%barrier3A_15)
    %mul3A_16 = arith.constant 640 : i32
    %mul3A_17 = arith.muli %arg1, %mul3A_16 : i32
    %mul3A_18 = arith.constant 640 : i32
    %mul3A_19 = arith.muli %arg1, %mul3A_18 : i32
    "tpu.region"() ({
      %run_scoped3A = tpu.sem_alloc : memref<!tpu.dma_semaphore, #tpu.memory_space<semaphore_mem>>
      %dma_start3A_20 = arith.constant 0 : i32
      %dma_start3A_21 = tpu.memref_slice %arg5[%arg0, %mul3A_19, %dma_start3A_20] : memref<2x10240x128xf32, #tpu.memory_space<hbm>> -> memref<1x640x128xf32, #tpu.memory_space<hbm>>
      %dma_start3A_22 = tpu.memref_squeeze %dma_start3A_21 : memref<1x640x128xf32, #tpu.memory_space<hbm>> -> memref<640x128xf32, #tpu.memory_space<hbm>>
      %dma_start3A_23 = arith.constant 0 : i32
      %dma_start3A_24 = tpu.memref_slice %arg9[%mul3A_17, %dma_start3A_23] : memref<10240x128xf32, #tpu.memory_space<vmem_shared>> -> memref<640x128xf32, #tpu.memory_space<vmem_shared>>
      tpu.enqueue_dma source(%dma_start3A_24 : memref<640x128xf32, #tpu.memory_space<vmem_shared>>) target(%dma_start3A_22 : memref<640x128xf32, #tpu.memory_space<hbm>>) target_semaphore(%run_scoped3A : memref<!tpu.dma_semaphore, #tpu.memory_space<semaphore_mem>>)
      %dma_wait3A_25 = arith.constant 0 : i32
      %dma_wait3A_26 = tpu.memref_slice %arg5[%arg0, %mul3A_19, %dma_wait3A_25] : memref<2x10240x128xf32, #tpu.memory_space<hbm>> -> memref<1x640x128xf32, #tpu.memory_space<hbm>>
      %dma_wait3A_27 = tpu.memref_squeeze %dma_wait3A_26 : memref<1x640x128xf32, #tpu.memory_space<hbm>> -> memref<640x128xf32, #tpu.memory_space<hbm>>
      %dma_wait3A_28 = arith.constant 0 : i32
      %dma_wait3A_29 = tpu.memref_slice %arg9[%mul3A_17, %dma_wait3A_28] : memref<10240x128xf32, #tpu.memory_space<vmem_shared>> -> memref<640x128xf32, #tpu.memory_space<vmem_shared>>
      tpu.wait_dma2 semaphore(%run_scoped3A : memref<!tpu.dma_semaphore, #tpu.memory_space<semaphore_mem>>) src(%dma_wait3A_29 : memref<640x128xf32, #tpu.memory_space<vmem_shared>>) dst(%dma_wait3A_27 : memref<640x128xf32, #tpu.memory_space<hbm>>)
      tpu.yield
    }) : () -> ()
    return
  }
}

module attributes {stable_mosaic.version = 14 : i64} {
  func.func @_tc_in_body(%arg0: i32, %arg1: memref<2x1000x16xf32, #tpu.memory_space<vmem>>, %arg2: memref<1000x128xf32, #tpu.memory_space<vmem>>, %arg3: memref<128x128xf32, #tpu.memory_space<vmem>>, %arg4: memref<1000x128xf32, #tpu.memory_space<vmem>>) attributes {dimension_semantics = [#tpu.dimension_semantics<arbitrary>], iteration_bounds = array<i64: 10>, scalar_prefetch = 0 : i64, scratch_operands = 0 : i64, tpu.core_type = #tpu.core_type<tc>, window_params = [{transform_indices = @transform_0, window_bounds = array<i64: 2, 1000, 16>}, {transform_indices = @transform_1, window_bounds = array<i64: 1000, 128>}, {pipeline_mode = #tpu.pipeline_mode<synchronous>, transform_indices = @transform_2, window_bounds = array<i64: 128, 128>}, {transform_indices = @transform_3, window_bounds = array<i64: 1000, 128>}]} {
    %get3A = arith.constant 0 : index
    %get3A_0 = arith.constant 0 : index
    %get3A_1 = arith.constant 0 : index
    %get3A_2 = vector.load %arg1[%get3A, %get3A_0, %get3A_1] : memref<2x1000x16xf32, #tpu.memory_space<vmem>>, vector<1x1000x16xf32>
    %get3A_3 = vector.shape_cast %get3A_2 : vector<1x1000x16xf32> to vector<1000x16xf32>
    %get3A_4 = arith.constant 1 : index
    %get3A_5 = arith.constant 0 : index
    %get3A_6 = arith.constant 0 : index
    %get3A_7 = vector.load %arg1[%get3A_4, %get3A_5, %get3A_6] : memref<2x1000x16xf32, #tpu.memory_space<vmem>>, vector<1x1000x16xf32>
    %get3A_8 = vector.shape_cast %get3A_7 : vector<1x1000x16xf32> to vector<1000x16xf32>
    %add3A = arith.addf %get3A_3, %get3A_8 : vector<1000x16xf32>
    %slice3A = vector.extract_strided_slice %add3A {offsets = [0, 0], sizes = [1000, 1], strides = [1, 1]} : vector<1000x16xf32> to vector<1000x1xf32>
    %add3A_9 = arith.constant 1.000000e+00 : f32
    %add3A_10 = vector.broadcast %add3A_9 : f32 to vector<1000x1xf32>
    %add3A_11 = arith.addf %slice3A, %add3A_10 : vector<1000x1xf32>
    %rsqrt3A = math.rsqrt %add3A_11 : vector<1000x1xf32>
    %get3A_12 = arith.constant 0 : index
    %get3A_13 = arith.constant 0 : index
    %get3A_14 = vector.load %arg2[%get3A_12, %get3A_13] : memref<1000x128xf32, #tpu.memory_space<vmem>>, vector<1000x128xf32>
    %get3A_15 = arith.constant 0 : index
    %get3A_16 = arith.constant 0 : index
    %get3A_17 = vector.load %arg3[%get3A_15, %get3A_16] : memref<128x128xf32, #tpu.memory_space<vmem>>, vector<128x128xf32>
    %dot_general3A = arith.constant dense<0.000000e+00> : vector<1000x128xf32>
    %dot_general3A_18 = tpu.matmul %get3A_14, %get3A_17, %dot_general3A {dimension_numbers = #tpu.dot_dimension_numbers<[1], [0], [0], [1], [0, 0, 1, 1], [], []>, transpose_lhs_hint = false} : vector<1000x128xf32>, vector<128x128xf32>, vector<1000x128xf32> -> vector<1000x128xf32>
    %mul3A = vector.broadcast %rsqrt3A : vector<1000x1xf32> to vector<1000x128xf32>
    %mul3A_19 = arith.mulf %dot_general3A_18, %mul3A : vector<1000x128xf32>
    %swap3A = arith.constant 0 : index
    %swap3A_20 = arith.constant 0 : index
    %swap3A_21 = vector.load %arg4[%swap3A, %swap3A_20] : memref<1000x128xf32, #tpu.memory_space<vmem>>, vector<1000x128xf32>
    tpu.vector_store %arg4[%swap3A, %swap3A_20], %mul3A_19 {strides = array<i32>} : memref<1000x128xf32, #tpu.memory_space<vmem>>, vector<1000x128xf32>,
    return
  }
  func.func @transform_0(%arg0: i32) -> (i32, i32, i32) {
    %c0_i32 = arith.constant 0 : i32
    %c0_i32_0 = arith.constant 0 : i32
    %c0_i32_1 = arith.constant 0 : i32
    return %c0_i32, %arg0, %c0_i32_0 : i32, i32, i32
  }
  func.func @transform_1(%arg0: i32) -> (i32, i32) {
    %c0_i32 = arith.constant 0 : i32
    %c0_i32_0 = arith.constant 0 : i32
    return %arg0, %c0_i32 : i32, i32
  }
  func.func @transform_2(%arg0: i32) -> (i32, i32) {
    %c0_i32 = arith.constant 0 : i32
    %c0_i32_0 = arith.constant 0 : i32
    %c0_i32_1 = arith.constant 0 : i32
    return %c0_i32, %c0_i32_0 : i32, i32
  }
  func.func @transform_3(%arg0: i32) -> (i32, i32) {
    %c0_i32 = arith.constant 0 : i32
    %c0_i32_0 = arith.constant 0 : i32
    return %arg0, %c0_i32 : i32, i32
  }
}

module attributes {stable_mosaic.version = 14 : i64} {
  func.func @_tc_mid_body(%arg0: i32, %arg1: memref<2x1000x16xf32, #tpu.memory_space<vmem>>, %arg2: memref<2x1000x128xf32, #tpu.memory_space<vmem>>, %arg3: memref<1000x128xf32, #tpu.memory_space<vmem>>, %arg4: memref<1x128xf32, #tpu.memory_space<vmem>>, %arg5: memref<128x128xf32, #tpu.memory_space<vmem>>, %arg6: memref<1000x128xf32, #tpu.memory_space<vmem>>) attributes {dimension_semantics = [#tpu.dimension_semantics<arbitrary>], iteration_bounds = array<i64: 10>, scalar_prefetch = 0 : i64, scratch_operands = 0 : i64, tpu.core_type = #tpu.core_type<tc>, window_params = [{transform_indices = @transform_0, window_bounds = array<i64: 2, 1000, 16>}, {transform_indices = @transform_1, window_bounds = array<i64: 2, 1000, 128>}, {transform_indices = @transform_2, window_bounds = array<i64: 1000, 128>}, {pipeline_mode = #tpu.pipeline_mode<synchronous>, transform_indices = @transform_3, window_bounds = array<i64: 1, 128>}, {pipeline_mode = #tpu.pipeline_mode<synchronous>, transform_indices = @transform_4, window_bounds = array<i64: 128, 128>}, {transform_indices = @transform_5, window_bounds = array<i64: 1000, 128>}]} {
    %get3A = arith.constant 0 : index
    %get3A_0 = arith.constant 0 : index
    %get3A_1 = arith.constant 0 : index
    %get3A_2 = vector.load %arg1[%get3A, %get3A_0, %get3A_1] : memref<2x1000x16xf32, #tpu.memory_space<vmem>>, vector<1x1000x16xf32>
    %get3A_3 = vector.shape_cast %get3A_2 : vector<1x1000x16xf32> to vector<1000x16xf32>
    %get3A_4 = arith.constant 1 : index
    %get3A_5 = arith.constant 0 : index
    %get3A_6 = arith.constant 0 : index
    %get3A_7 = vector.load %arg1[%get3A_4, %get3A_5, %get3A_6] : memref<2x1000x16xf32, #tpu.memory_space<vmem>>, vector<1x1000x16xf32>
    %get3A_8 = vector.shape_cast %get3A_7 : vector<1x1000x16xf32> to vector<1000x16xf32>
    %add3A = arith.addf %get3A_3, %get3A_8 : vector<1000x16xf32>
    %slice3A = vector.extract_strided_slice %add3A {offsets = [0, 0], sizes = [1000, 1], strides = [1, 1]} : vector<1000x16xf32> to vector<1000x1xf32>
    %add3A_9 = arith.constant 1.000000e+00 : f32
    %add3A_10 = vector.broadcast %add3A_9 : f32 to vector<1000x1xf32>
    %add3A_11 = arith.addf %slice3A, %add3A_10 : vector<1000x1xf32>
    %rsqrt3A = math.rsqrt %add3A_11 : vector<1000x1xf32>
    %get3A_12 = arith.constant 0 : index
    %get3A_13 = arith.constant 0 : index
    %get3A_14 = arith.constant 0 : index
    %get3A_15 = vector.load %arg2[%get3A_12, %get3A_13, %get3A_14] : memref<2x1000x128xf32, #tpu.memory_space<vmem>>, vector<1x1000x128xf32>
    %get3A_16 = vector.shape_cast %get3A_15 : vector<1x1000x128xf32> to vector<1000x128xf32>
    %get3A_17 = arith.constant 1 : index
    %get3A_18 = arith.constant 0 : index
    %get3A_19 = arith.constant 0 : index
    %get3A_20 = vector.load %arg2[%get3A_17, %get3A_18, %get3A_19] : memref<2x1000x128xf32, #tpu.memory_space<vmem>>, vector<1x1000x128xf32>
    %get3A_21 = vector.shape_cast %get3A_20 : vector<1x1000x128xf32> to vector<1000x128xf32>
    %add3A_22 = arith.addf %get3A_16, %get3A_21 : vector<1000x128xf32>
    %get3A_23 = arith.constant 0 : index
    %get3A_24 = arith.constant 0 : index
    %get3A_25 = vector.load %arg3[%get3A_23, %get3A_24] : memref<1000x128xf32, #tpu.memory_space<vmem>>, vector<1000x128xf32>
    %add3A_26 = arith.addf %add3A_22, %get3A_25 : vector<1000x128xf32>
    %mul3A = vector.broadcast %rsqrt3A : vector<1000x1xf32> to vector<1000x128xf32>
    %mul3A_27 = arith.mulf %mul3A, %add3A_26 : vector<1000x128xf32>
    %get3A_28 = arith.constant 0 : index
    %get3A_29 = arith.constant 0 : index
    %get3A_30 = vector.load %arg4[%get3A_28, %get3A_29] : memref<1x128xf32, #tpu.memory_space<vmem>>, vector<1x128xf32>
    %add3A_31 = vector.broadcast %get3A_30 : vector<1x128xf32> to vector<1000x128xf32>
    %add3A_32 = arith.addf %mul3A_27, %add3A_31 : vector<1000x128xf32>
    %max3A = arith.constant 0.000000e+00 : f32
    %max3A_33 = vector.broadcast %max3A : f32 to vector<1000x128xf32>
    %max3A_34 = arith.maximumf %add3A_32, %max3A_33 : vector<1000x128xf32>
    %get3A_35 = arith.constant 0 : index
    %get3A_36 = arith.constant 0 : index
    %get3A_37 = vector.load %arg5[%get3A_35, %get3A_36] : memref<128x128xf32, #tpu.memory_space<vmem>>, vector<128x128xf32>
    %dot_general3A = arith.constant dense<0.000000e+00> : vector<1000x128xf32>
    %dot_general3A_38 = tpu.matmul %max3A_34, %get3A_37, %dot_general3A {dimension_numbers = #tpu.dot_dimension_numbers<[1], [0], [0], [1], [0, 0, 1, 1], [], []>, transpose_lhs_hint = false} : vector<1000x128xf32>, vector<128x128xf32>, vector<1000x128xf32> -> vector<1000x128xf32>
    %mul3A_39 = vector.broadcast %rsqrt3A : vector<1000x1xf32> to vector<1000x128xf32>
    %mul3A_40 = arith.mulf %dot_general3A_38, %mul3A_39 : vector<1000x128xf32>
    %swap3A = arith.constant 0 : index
    %swap3A_41 = arith.constant 0 : index
    %swap3A_42 = vector.load %arg6[%swap3A, %swap3A_41] : memref<1000x128xf32, #tpu.memory_space<vmem>>, vector<1000x128xf32>
    tpu.vector_store %arg6[%swap3A, %swap3A_41], %mul3A_40 {strides = array<i32>} : memref<1000x128xf32, #tpu.memory_space<vmem>>, vector<1000x128xf32>,
    return
  }
  func.func @transform_0(%arg0: i32) -> (i32, i32, i32) {
    %c0_i32 = arith.constant 0 : i32
    %c0_i32_0 = arith.constant 0 : i32
    %c0_i32_1 = arith.constant 0 : i32
    return %c0_i32, %arg0, %c0_i32_0 : i32, i32, i32
  }
  func.func @transform_1(%arg0: i32) -> (i32, i32, i32) {
    %c0_i32 = arith.constant 0 : i32
    %c0_i32_0 = arith.constant 0 : i32
    %c0_i32_1 = arith.constant 0 : i32
    return %c0_i32, %arg0, %c0_i32_0 : i32, i32, i32
  }
  func.func @transform_2(%arg0: i32) -> (i32, i32) {
    %c0_i32 = arith.constant 0 : i32
    %c0_i32_0 = arith.constant 0 : i32
    return %arg0, %c0_i32 : i32, i32
  }
  func.func @transform_3(%arg0: i32) -> (i32, i32) {
    %c0_i32 = arith.constant 0 : i32
    %c0_i32_0 = arith.constant 0 : i32
    %c0_i32_1 = arith.constant 0 : i32
    return %c0_i32, %c0_i32_0 : i32, i32
  }
  func.func @transform_4(%arg0: i32) -> (i32, i32) {
    %c0_i32 = arith.constant 0 : i32
    %c0_i32_0 = arith.constant 0 : i32
    %c0_i32_1 = arith.constant 0 : i32
    return %c0_i32, %c0_i32_0 : i32, i32
  }
  func.func @transform_5(%arg0: i32) -> (i32, i32) {
    %c0_i32 = arith.constant 0 : i32
    %c0_i32_0 = arith.constant 0 : i32
    return %arg0, %c0_i32 : i32, i32
  }
}

module attributes {stable_mosaic.version = 14 : i64} {
  func.func @_tc_out_body(%arg0: i32, %arg1: memref<2x1000x16xf32, #tpu.memory_space<vmem>>, %arg2: memref<2x1000x128xf32, #tpu.memory_space<vmem>>, %arg3: memref<1000x128xf32, #tpu.memory_space<vmem>>, %arg4: memref<1x128xf32, #tpu.memory_space<vmem>>, %arg5: memref<1000x128xf32, #tpu.memory_space<vmem>>) attributes {dimension_semantics = [#tpu.dimension_semantics<arbitrary>], iteration_bounds = array<i64: 10>, scalar_prefetch = 0 : i64, scratch_operands = 0 : i64, tpu.core_type = #tpu.core_type<tc>, window_params = [{transform_indices = @transform_0, window_bounds = array<i64: 2, 1000, 16>}, {transform_indices = @transform_1, window_bounds = array<i64: 2, 1000, 128>}, {transform_indices = @transform_2, window_bounds = array<i64: 1000, 128>}, {pipeline_mode = #tpu.pipeline_mode<synchronous>, transform_indices = @transform_3, window_bounds = array<i64: 1, 128>}, {transform_indices = @transform_4, window_bounds = array<i64: 1000, 128>}]} {
    %get3A = arith.constant 0 : index
    %get3A_0 = arith.constant 0 : index
    %get3A_1 = arith.constant 0 : index
    %get3A_2 = vector.load %arg1[%get3A, %get3A_0, %get3A_1] : memref<2x1000x16xf32, #tpu.memory_space<vmem>>, vector<1x1000x16xf32>
    %get3A_3 = vector.shape_cast %get3A_2 : vector<1x1000x16xf32> to vector<1000x16xf32>
    %get3A_4 = arith.constant 1 : index
    %get3A_5 = arith.constant 0 : index
    %get3A_6 = arith.constant 0 : index
    %get3A_7 = vector.load %arg1[%get3A_4, %get3A_5, %get3A_6] : memref<2x1000x16xf32, #tpu.memory_space<vmem>>, vector<1x1000x16xf32>
    %get3A_8 = vector.shape_cast %get3A_7 : vector<1x1000x16xf32> to vector<1000x16xf32>
    %add3A = arith.addf %get3A_3, %get3A_8 : vector<1000x16xf32>
    %slice3A = vector.extract_strided_slice %add3A {offsets = [0, 0], sizes = [1000, 1], strides = [1, 1]} : vector<1000x16xf32> to vector<1000x1xf32>
    %add3A_9 = arith.constant 1.000000e+00 : f32
    %add3A_10 = vector.broadcast %add3A_9 : f32 to vector<1000x1xf32>
    %add3A_11 = arith.addf %slice3A, %add3A_10 : vector<1000x1xf32>
    %rsqrt3A = math.rsqrt %add3A_11 : vector<1000x1xf32>
    %get3A_12 = arith.constant 0 : index
    %get3A_13 = arith.constant 0 : index
    %get3A_14 = arith.constant 0 : index
    %get3A_15 = vector.load %arg2[%get3A_12, %get3A_13, %get3A_14] : memref<2x1000x128xf32, #tpu.memory_space<vmem>>, vector<1x1000x128xf32>
    %get3A_16 = vector.shape_cast %get3A_15 : vector<1x1000x128xf32> to vector<1000x128xf32>
    %get3A_17 = arith.constant 1 : index
    %get3A_18 = arith.constant 0 : index
    %get3A_19 = arith.constant 0 : index
    %get3A_20 = vector.load %arg2[%get3A_17, %get3A_18, %get3A_19] : memref<2x1000x128xf32, #tpu.memory_space<vmem>>, vector<1x1000x128xf32>
    %get3A_21 = vector.shape_cast %get3A_20 : vector<1x1000x128xf32> to vector<1000x128xf32>
    %add3A_22 = arith.addf %get3A_16, %get3A_21 : vector<1000x128xf32>
    %get3A_23 = arith.constant 0 : index
    %get3A_24 = arith.constant 0 : index
    %get3A_25 = vector.load %arg3[%get3A_23, %get3A_24] : memref<1000x128xf32, #tpu.memory_space<vmem>>, vector<1000x128xf32>
    %add3A_26 = arith.addf %add3A_22, %get3A_25 : vector<1000x128xf32>
    %mul3A = vector.broadcast %rsqrt3A : vector<1000x1xf32> to vector<1000x128xf32>
    %mul3A_27 = arith.mulf %mul3A, %add3A_26 : vector<1000x128xf32>
    %get3A_28 = arith.constant 0 : index
    %get3A_29 = arith.constant 0 : index
    %get3A_30 = vector.load %arg4[%get3A_28, %get3A_29] : memref<1x128xf32, #tpu.memory_space<vmem>>, vector<1x128xf32>
    %add3A_31 = vector.broadcast %get3A_30 : vector<1x128xf32> to vector<1000x128xf32>
    %add3A_32 = arith.addf %mul3A_27, %add3A_31 : vector<1000x128xf32>
    %reduce_max3A = arith.constant dense<0xFF800000> : vector<1000xf32>
    %reduce_max3A_33 = vector.multi_reduction <maximumf>, %add3A_32, %reduce_max3A [1] : vector<1000x128xf32> to vector<1000xf32>
    %broadcast_in_dim3A = vector.shape_cast %reduce_max3A_33 : vector<1000xf32> to vector<1000x1xf32>
    %sub3A = vector.broadcast %broadcast_in_dim3A : vector<1000x1xf32> to vector<1000x128xf32>
    %sub3A_34 = arith.subf %add3A_32, %sub3A : vector<1000x128xf32>
    %exp3A = math.exp %sub3A_34 : vector<1000x128xf32>
    %reduce_sum3A = arith.constant dense<0.000000e+00> : vector<1000xf32>
    %reduce_sum3A_35 = vector.multi_reduction <add>, %exp3A, %reduce_sum3A [1] : vector<1000x128xf32> to vector<1000xf32>
    %broadcast_in_dim3A_36 = vector.shape_cast %reduce_sum3A_35 : vector<1000xf32> to vector<1000x1xf32>
    %log3A = math.log %broadcast_in_dim3A_36 : vector<1000x1xf32>
    %add3A_37 = arith.addf %log3A, %broadcast_in_dim3A : vector<1000x1xf32>
    %sub3A_38 = vector.broadcast %add3A_37 : vector<1000x1xf32> to vector<1000x128xf32>
    %sub3A_39 = arith.subf %add3A_32, %sub3A_38 : vector<1000x128xf32>
    %swap3A = arith.constant 0 : index
    %swap3A_40 = arith.constant 0 : index
    %swap3A_41 = vector.load %arg5[%swap3A, %swap3A_40] : memref<1000x128xf32, #tpu.memory_space<vmem>>, vector<1000x128xf32>
    tpu.vector_store %arg5[%swap3A, %swap3A_40], %sub3A_39 {strides = array<i32>} : memref<1000x128xf32, #tpu.memory_space<vmem>>, vector<1000x128xf32>,
    return
  }
  func.func @transform_0(%arg0: i32) -> (i32, i32, i32) {
    %c0_i32 = arith.constant 0 : i32
    %c0_i32_0 = arith.constant 0 : i32
    %c0_i32_1 = arith.constant 0 : i32
    return %c0_i32, %arg0, %c0_i32_0 : i32, i32, i32
  }
  func.func @transform_1(%arg0: i32) -> (i32, i32, i32) {
    %c0_i32 = arith.constant 0 : i32
    %c0_i32_0 = arith.constant 0 : i32
    %c0_i32_1 = arith.constant 0 : i32
    return %c0_i32, %arg0, %c0_i32_0 : i32, i32, i32
  }
  func.func @transform_2(%arg0: i32) -> (i32, i32) {
    %c0_i32 = arith.constant 0 : i32
    %c0_i32_0 = arith.constant 0 : i32
    return %arg0, %c0_i32 : i32, i32
  }
  func.func @transform_3(%arg0: i32) -> (i32, i32) {
    %c0_i32 = arith.constant 0 : i32
    %c0_i32_0 = arith.constant 0 : i32
    %c0_i32_1 = arith.constant 0 : i32
    return %c0_i32, %c0_i32_0 : i32, i32
  }
  func.func @transform_4(%arg0: i32) -> (i32, i32) {
    %c0_i32 = arith.constant 0 : i32
    %c0_i32_0 = arith.constant 0 : i32
    return %arg0, %c0_i32 : i32, i32
  }
}

</mosaic_0001>

<sc_bundles>
// kernel: kernel.11.cloned.1.call-start
scs
__scs_entry_jumppad:
0x0: {  	(pc) =	sbr.rel $0x88, $3  }
0x1: {  	(tag) =	ssettag $0x0;
	lr =	simm.s32 $0x1  }
0x2: {  	[smem:$0x3F9B] =	sst lr;
	_ =	strace $0xD0000000  }
0x3: {  	_ = 	snop  }
0x4: {  	_ = 	snop  }
0x5: {  	_ = 	snop  }
0x6: {  	_ = 	snop  }
0x7: {  	_ = 	snop  }
__scs_overlays_trampoline_lowered:
0x8: {  	[smem:$0x3FAA] =	sst s0  }
0x9: {  	[smem:$0x3FAB] =	sst s1  }
0xa: {  	[smem:$0x3FAC] =	sst s2  }
0xb: {  	[smem:$0x3FAD] =	sst s3  }
0xc: {  	[smem:$0x3FAE] =	sst s4  }
0xd: {  	[smem:$0x3FAF] =	sst s5  }
0xe: {  	[smem:$0x3FB0] =	sst s6  }
0xf: {  	[smem:$0x3FB1] =	sst s7  }
0x10: {  	[smem:$0x3FB2] =	sst s8  }
0x11: {  	[smem:$0x3FB3] =	sst s9;
	s0 =	simm.s32 @!p0 $0x0  }
0x12: {  	s1 =	sld [smem:$0x3F99];
	s0 =	simm.s32 @p0 $0x1  }
0x13: {  	[smem:$0x3FB4] =	sst s0;
	s0 =	simm.s32 @!p1 $0x0  }
0x14: {  	s2 =	sld [smem:$0x3F98];
	s0 =	simm.s32 @p1 $0x1  }
0x15: {  	[smem:$0x3FB5] =	sst s0;
	s0 =	simm.s32 @!p2 $0x0  }
0x16: {  	s3 =	sld [smem:$0x3FDB];
	s0 =	simm.s32 @p2 $0x1  }
0x17: {  	s4 =	simm.s32 $0x1BF5;
	[smem:$0x3FB7] =	sst s0  }
0x18: {  	s0 =	sld [smem:$0x3F9A];
	_ =	swait.ge [sflag:s4], $0x0  }
0x19: {  	s7 =	sld [smem:$0x3F9B]  }
0x1a: {  	s8 =	sadd.s32 $0xFFFFE003, lr  }
0x1b: {  	s9 =	sadd.s32 $0xFFFFFEF7, lr;
	s5 =	simm.s32 $0xFFFFFFFF;
	p2 =	slt.u32 s8, $0xFFFFF086  }
0x1c: {  	p1 =	slt.u32 s9, $0xF7A;
	s5 =	simm.s32 @!p2 $0x0  }
0x1d: {  	s5 =	simm.s32 @p1 $0x1;
	p0 =	seq.s32 s7, s2  }
0x1e: {  	s7 =	smul.u32 @!p0 $0xF7A, s2;
	p2 =	seq.s32 @!p0 s5, $0x0  }
0x1f: {  	s9 =	smul.u32 $0xF7A, s1;
	s8 =	simm.s32 @!p0 $0x1BF5;
	p2 =	por !p2, p0  }
0x20: {  	[sflag:s8] =	ssyncset.s32 @!p0 $0xFFFFF086;
	s6 =	sadd.s32 @!p0 s3, s7;
	s7 =	simm.s32 @!p0 $0x108  }
0x21: {  	s3 =	sadd.s32 s3, s9;
	s6 =	sadd.s32 @!p0 $0x88, s6;
	s7 =	simm.s32 @p2 $0x1082  }
0x22: {  	[simem:s7], [sflag:s8] =	dma.local @!p0 [hbm:s6], $0xF7A  }
0x23: {  	s9 =	sor.u32 $0xD0000000, s2;
	s6 =	simm.s32 $0x108;
	_ =	swait.ge @!p0 [sflag:s8], $0x0  }
0x24: {  	s3 =	sadd.s32 $0x88, s3;
	s6 =	simm.s32 @!p1 $0x1082;
	[sflag:s4] =	ssyncset.s32 $0xFFFFF086  }
0x25: {  	[simem:s6], [sflag:s4] =	dma.local [hbm:s3], $0xF7A  }
0x26: {  	[smem:$0x3F9B] =	sst s1;
	(tag) =	ssettag s2;
	_ =	strace s9  }
0x27: {  	s1 =	sld [smem:$0x3FAB]  }
0x28: {  	s2 =	sld [smem:$0x3FAC]  }
0x29: {  	s4 =	sld [smem:$0x3FAE]  }
0x2a: {  	p0 =	seq.s32 s5, $0x0;
	s5 =	sld [smem:$0x3FAF]  }
0x2b: {  	s6 =	sld [smem:$0x3FB0]  }
0x2c: {  	s7 =	sld [smem:$0x3FB1]  }
0x2d: {  	s3 =	simm.s32 $0x108;
	s8 =	sld [smem:$0x3FB2]  }
0x2e: {  	s3 =	simm.s32 @!p0 $0x1082;
	s9 =	sld [smem:$0x3FB3]  }
0x2f: {  	lr =	sadd.s32 s0, s3;
	s0 =	sld [smem:$0x3FAA]  }
0x30: {  	s3 =	sld [smem:$0x3FAD]  }
0x31: {  	[smem:$0x3FB6] =	sst s10  }
0x32: {  	s10 =	sld [smem:$0x3FB4];
	_ =	sdelay $0x3  }
0x33: {  	p0 =	seq.s32 s10, $0x1;
	s10 =	sld [smem:$0x3FB6];
	_ =	sdelay $0x3  }
0x34: {  	[smem:$0x3FB6] =	sst s10  }
0x35: {  	s10 =	sld [smem:$0x3FB5];
	_ =	sdelay $0x3  }
0x36: {  	p1 =	seq.s32 s10, $0x1;
	s10 =	sld [smem:$0x3FB6];
	_ =	sdelay $0x3  }
0x37: {  	[smem:$0x3FB6] =	sst s10  }
0x38: {  	s10 =	sld [smem:$0x3FB7]  }
0x39: {  	_ = 	snop;
	(pc) =	sbr.ind lr, $3  }
0x3a: {  	_ = 	snop  }
0x3b: {  	_ = 	snop  }
0x3c: {  	p2 =	seq.s32 s10, $0x1;
	s10 =	sld [smem:$0x3FB6]  }
0x3d: {  	_ =	shalt  }
0x3e: {  	_ =	shalt  }
0x3f: {  	_ =	shalt  }
0x40: {  	_ =	shalt  }
0x41: {  	_ =	shalt  }
0x42: {  	_ =	shalt  }
0x43: {  	_ =	shalt  }
0x44: {  	_ =	shalt  }
0x45: {  	_ =	shalt  }
0x46: {  	_ =	shalt  }
0x47: {  	_ =	shalt  }
0x48: {  	_ =	shalt  }
0x49: {  	_ =	shalt  }
0x4a: {  	_ =	shalt  }
0x4b: {  	_ =	shalt  }
0x4c: {  	_ =	shalt  }
0x4d: {  	_ =	shalt  }
0x4e: {  	_ =	shalt  }
0x4f: {  	_ =	shalt  }
0x50: {  	_ =	shalt  }
0x51: {  	_ =	shalt  }
0x52: {  	_ =	shalt  }
0x53: {  	_ =	shalt  }
0x54: {  	_ =	shalt  }
0x55: {  	_ =	shalt  }
0x56: {  	_ =	shalt  }
0x57: {  	_ =	shalt  }
0x58: {  	_ =	shalt  }
0x59: {  	_ =	shalt  }
0x5a: {  	_ =	shalt  }
0x5b: {  	_ =	shalt  }
0x5c: {  	_ =	shalt  }
0x5d: {  	_ =	shalt  }
0x5e: {  	_ =	shalt  }
0x5f: {  	_ =	shalt  }
0x60: {  	_ =	shalt  }
0x61: {  	_ =	shalt  }
0x62: {  	_ =	shalt  }
0x63: {  	_ =	shalt  }
0x64: {  	_ =	shalt  }
0x65: {  	_ =	shalt  }
0x66: {  	_ =	shalt  }
0x67: {  	_ =	shalt  }
0x68: {  	_ =	shalt  }
0x69: {  	_ =	shalt  }
0x6a: {  	_ =	shalt  }
0x6b: {  	_ =	shalt  }
0x6c: {  	_ =	shalt  }
0x6d: {  	_ =	shalt  }
0x6e: {  	_ =	shalt  }
0x6f: {  	_ =	shalt  }
0x70: {  	_ =	shalt  }
0x71: {  	_ =	shalt  }
0x72: {  	_ =	shalt  }
0x73: {  	_ =	shalt  }
0x74: {  	_ =	shalt  }
0x75: {  	_ =	shalt  }
0x76: {  	_ =	shalt  }
0x77: {  	_ =	shalt  }
0x78: {  	_ =	shalt  }
0x79: {  	_ =	shalt  }
0x7a: {  	_ =	shalt  }
0x7b: {  	_ =	shalt  }
0x7c: {  	_ =	shalt  }
0x7d: {  	_ =	shalt  }
0x7e: {  	_ =	shalt  }
0x7f: {  	_ =	shalt  }
0x80: {  	_ =	shalt  }
0x81: {  	_ =	shalt  }
0x82: {  	_ =	shalt  }
0x83: {  	_ =	shalt  }
0x84: {  	_ =	shalt  }
0x85: {  	_ =	shalt  }
0x86: {  	_ =	shalt  }
0x87: {  	_ =	shalt  }
.Lfunc_end0:
.L_simem_size_0:
called_computation.1_lowered:
.L_overlay_start_0:
0x88: {  	s2 =	sld [smem:$0x3FD9]  }
0x89: {  	s3 =	sld [smem:$0x3FFE];
	_ =	sdelay $0x1  }
0x8a: {  	s1 =	srdreg.scid  }
0x8b: {  	s0 =	sand.u32 $0x1, s1  }
0x8c: {  	s17 =	sshll.u32 s0, $0xA;
	s2 =	sadd.s32 s3, s2  }
0x8d: {  	s2 =	sadd.s32 s2, s17  }
0x8e: {  	[smem:$0x3FC2] =	sst s2  }
0x8f: {  	_ = 	snop  }
0x90: {  	s2 =	sld [smem:$0x3FD0];
	(tm) =	ssettm $0x1  }
0x91: {  	s18 =	sld [smem:$0x3FFB];
	_ =	sdelay $0x3  }
0x92: {  	_ =	strace s18  }
0x93: {  	s3 =	sld [smem:$0x3FFC];
	_ =	sdelay $0x3  }
0x94: {  	_ =	strace s3  }
0x95: {  	s3 =	sld [smem:$0x3FFD];
	_ =	sdelay $0x3  }
0x96: {  	_ =	strace s3  }
0x97: {  	_ =	strace $0x8FFFFFFF  }
0x98: {  	s19 =	sld [smem:$0x3FDB];
	_ =	sdelay $0x1  }
0x99: {  	s4 =	simm.s32 $_scs_section_size  }
0x9a: {  	s5 =	simm.s32 $_size__tile_overlayer_lowered;
	s6 =	simm.s32 $_tile_overlayer_lowered  }
0x9b: {  	s22 =	simm.s32 $0x1BFF;
	s21 =	sshll.u32 s6, $0x1;
	s3 =	sadd.s32 s4, s19  }
0x9c: {  	s7 =	simm.s32 $0x0;
	s20 =	sshll.u32 s5, $0x1;
	s5 =	sadd.s32 s21, s3  }
0x9d: {  	[timem:s7], [sflag:s22] =	dma.local [hbm:s5], s20  }
0x9e: {  	_ =	swait.ge [sflag:s22], s20  }
0x9f: {  	s4 =	ssub.s32 $0x0, s20;
	[sflag:s22] =	ssyncset.done $0x0  }
0xa0: {  	[sflag:s22] =	ssyncadd.s32 s4;
	_ =	sdelay $0x1  }
0xa1: {  	s23 =	simm.s32 $0x1B8B  }
0xa2: {  	_ =	swait.ge [sflag:s23], $0x1  }
0xa3: {  	[sflag:s23] =	ssyncset.done $0x0  }
0xa4: {  	s25 =	simm.s32 $0x1B8E;
	s24 =	sld [smem:$0x3FFE];
	[sflag:s23] =	ssyncadd.s32 $0xFFFFFFFF  }
0xa5: {  	s26 =	simm.s32 $execute0_lowered;
	[smem:$0x3FD2] =	sst s25  }
0xa6: {  	s5 =	sshll.u32 s26, $0x1;
	_ =	strace $0x80000049;
	[dreg:$0x1] =	wrdreg $0xFFFFFFFF  }
0xa7: {  	s28 =	simm.s32 $_size_execute0_lowered;
	s3 =	sadd.s32 s3, s5;
	[dreg:$0x0] =	wrdreg $0x0  }
0xa8: {  	s5 =	sshll.u32 s28, $0x1;
	[dreg:$0x2] =	wrdreg s3  }
0xa9: {  	[dreg:$0x3] =	wrdreg s5  }
0xaa: {  	[dreg:$0x4] =	wrdreg $0xC0  }
0xab: {  	_ =	task [dreg:s7], $0x5FFFF  }
0xac: {  	[dreg:$0x1] =	wrdreg $0xFFFFFFFF  }
0xad: {  	[dreg:$0x0] =	wrdreg $0x60  }
0xae: {  	[dreg:$0x2] =	wrdreg s2  }
0xaf: {  	[dreg:$0x3] =	wrdreg s24  }
0xb0: {  	[dreg:$0x4] =	wrdreg $0xA1000  }
0xb1: {  	[dreg:$0x5] =	wrdreg $0x9  }
0xb2: {  	_ =	task.clear_ibuf [dreg:s7], $0x6FFFF;
	_ =	strace $0x90000049  }
0xb3: {  	s29 =	simm.s32 $0x9;
	_ =	strace $0x8000004B  }
0xb4: {  	_ =	swait.ge [sflag:s29], $0x1  }
0xb5: {  	[sflag:s29] =	ssyncadd.s32 $0xFFFFFFFF  }
0xb6: {  	_ =	strace $0x9000004B  }
0xb7: {  	_ =	sfence  }
0xb8: {  	s30 =	sld [smem:$0x0];
	_ =	sdelay $0x2  }
0xb9: {  	s31 =	sshll.u32 s1, $0xD;
	s1 =	sshrl.u32 s1, $0x2  }
0xba: {  	s3 =	sand.u32 $0x4000, s31;
	s1 =	sadd.s32 s1, s30  }
0xbb: {  	s0 =	sor.u32 s3, s0;
	s1 =	sshll.u32 s1, $0x11  }
0xbc: {  	s0 =	sor.u32 s1, s0  }
0xbd: {  	s0 =	sadd.s32 $0x8F2B, s0  }
0xbe: {  	[sflag:s0] =	ssyncadd.remote.s32 $0x1  }
0xbf: {  	_ =	sfence.sel $0xFFFF  }
0xc0: {  	[dreg:$0x0] =	wrdreg $0xFFFFFFFF;
	(pc) =	sbr.abs _section_cstart, $3  }
0xc1: {  	[dreg:$0x1] =	wrdreg $0xFFFFFFFF  }
0xc2: {  	_ =	task.clear_ibuf [dreg:s7], $0x2FFFF;
	_ =	strace $0x9FFFFFFF  }
0xc3: {  	(tm) =	ssettm $0x7FFFFFFF  }
tec
execute0_lowered:
.L_overlay_start_1:
0x0: {  	(tag) =	ssettag $0x1  }
0x1: {  	s0 =	srdreg.scid;
	s1 =	rddreg [dreg:$0x0]  }
0x2: {  	s12 =	stileid.u32;
	s6 =	rddreg [dreg:$0x1]  }
0x3: {  	s3 =	rddreg [dreg:$0x2];
	s28 =	simm.s32 $0x2800;
	s30 =	simm.s32 $0x7900  }
0x4: {  	s31 =	simm.s32 $0x2880;
	s29 =	simm.s32 $0x3;
	s8 =	smul.u32 $0x14000, s12  }
0x5: {  	s0 =	sand.u32 $0x1, s0;
	s11 =	sshll.u32 s12, $0x7;
	s14 =	smul.u32 $0x50000, s12  }
0x6: {  	s10 =	sadd.s32 $0xBC00, s6;
	s17 =	sshll.u32 s12, $0x6;
	s19 =	smul.u32 $0x2710, s12  }
0x7: {  	s2 =	sshll.u32 s0, $0x4;
	s7 =	sand.u32 $0x380, s11;
	s13 =	smul.u32 $0x140000, s0  }
0x8: {  	s15 =	ssub.s32 $0x2, s0;
	s0 =	smul.u32 $0x27100, s0;
	s2 =	sor.u32 s12, s2  }
0x9: {  	s11 =	sshrl.u32 s15, $0x1;
	s4 =	sshrl.u32 s2, $0x3;
	s2 =	smul.u32 $0x2710, s2  }
0xa: {  	s0 =	sadd.s32 s19, s0;
	s5 =	smul.u32 $0x13C00, s4;
	s4 =	simm.s32 $0x0  }
0xb: {  	s24 =	sadd.s32 $0x190, s0;
	s25 =	sadd.s32 $0x140, s0;
	[smem:$0x7FF] =	sst s4  }
0xc: {  	s2 =	sshrl.u32 s2, $0x3;
	s5 =	sor.u32 s7, s5;
	_ =	strace $0x8000004A  }
0xd: {  	s7 =	sadd.s32 s8, s13;
	[dreg:$0x4] =	wrdreg s10;
	s8 =	sshrl.u32 s14, $0x2  }
0xe: {  	s10 =	ssub.s32 s15, s11;
	s5 =	sshrl.u32 s5, $0x3;
	s7 =	sshrl.u32 s7, $0x3  }
0xf: {  	s16 =	sadd.s32 s8, s3;
	s8 =	sor.u32 $0x1C07, s17;
	s22 =	smax.u32 s10, $0x1  }
0x10: {  	s9 =	sadd.s32 s5, s6;
	s5 =	sadd.s32 $0x1E00, s6;
	s6 =	sadd.s32 s7, s6  }
0x11: {  	[dreg:$0xa] =	wrdreg s22;
	s19 =	sshrl.u32 s16, $0x3;
	s22 =	simm.s32 $0x5  }
0x12: {  	s18 =	sadd.s32 s5, s2;
	s9 =	sadd.s32 $0x5E400, s9;
	s6 =	sadd.s32 $0xE400, s6  }
0x13: {  	s2 =	sshrl.u32 s24, $0x3;
	s24 =	simm.s32 $0x2900;
	[dreg:$0x6] =	wrdreg s9  }
0x14: {  	s20 =	sadd.s32 $0xA, s18;
	s21 =	sadd.s32 $0x14, s18;
	[dreg:$0x9] =	wrdreg s6  }
0x15: {  	s23 =	sadd.s32 $0x4CE, s18;
	[dreg:$0x5] =	wrdreg s18;
	s7 =	sadd.s32 $0x4D8, s18  }
0x16: {  	s6 =	sshrl.u32 s25, $0x3;
	s14 =	sadd.s32 s2, s5;
	[dreg:$0x7] =	wrdreg s20  }
0x17: {  	s18 =	sadd.s32 $0xF0, s0;
	s25 =	simm.s32 $0x2780;
	[dreg:$0x8] =	wrdreg s21  }
0x18: {  	s2 =	simm.s32 $0x1;
	s0 =	simm.s32 $0x4;
	[dreg:$0xb] =	wrdreg s23  }
0x19: {  	s9 =	simm.s32 $0x0;
	[dreg:$0xc] =	wrdreg s7;
	s26 =	sadd.s32 s6, s5  }
0x1a: {  	s20 =	simm.s32 $0x7;
	s23 =	simm.s32 $0x50;
	s21 =	simm.s32 $0x2  }
0x1b: {  	s6 =	simm.s32 $0x6;
	[dreg:$0xd] =	wrdreg s26;
	s26 =	simm.s32 $0x5100  }
.LBB2_1:
0x1c: {  	s7 =	rddreg [dreg:$0x4]  }
0x1d: {  	[spmem:s19], [sflag:s8] =	dma.local [hbm:s7], $0x2800  }
0x1e: {  	_ =	swait.ge [sflag:s20], $0x2800  }
0x1f: {  	s17 =	smov.u32 s8;
	s11 =	simm.s32 $0x80;
	[sflag:s20] =	ssyncset.done $0x0  }
0x20: {  	s10 =	simm.s32 $0x400;
	s8 =	rddreg [dreg:$0x6];
	[sflag:s20] =	ssyncadd.s32 $0xFFFFD800  }
0x21: {  	[tilespmem:s4], [sflag:$0x7] =	stream.strided.gather [hbm4b:s8+s11], $0x2780, s10, s11, $0x38;
	[tilespmem:$0x1E100] =	vst v63  }
0x22: {  	_ =	swait.ge [sflag:s20], $0x2780  }
0x23: {  	[sflag:s20] =	ssyncset.done $0x0  }
0x24: {  	[sflag:s20] =	ssyncadd.s32 $0xFFFFD880  }
0x25: {  	[bflag:$0x0] =	sbarrier.arrive $0xFFFF  }
0x26: {  	[tilespmem:s24], [sflag:$0x1] =	stream.indirect.gather [hbm4b:s1+s23], $0x80, s4, s23, $0xb8;
	[tilespmem:$0x1E100] =	vst v63  }
0x27: {  	s12 =	rddreg [dreg:$0x5]  }
0x28: {  	[tilespmem:s25], [sflag:$0x4] =	stream.linear.gather [hbm4b:s12+s4], $0x50, $0x38;
	[tilespmem:$0x1E100] =	vst v63  }
0x29: {  	_ = 	snop  }
0x2a: {  	[tilespmem:s26], [sflag:$0x2] =	stream.indirect.gather [hbm4b:s1+s23], $0x80, s23, s23, $0xb8;
	[tilespmem:$0x1E100] =	vst v63  }
0x2b: {  	s13 =	rddreg [dreg:$0x7]  }
0x2c: {  	[tilespmem:s28], [sflag:$0x5] =	stream.linear.gather [hbm4b:s13+s4], $0x50, $0x38;
	[tilespmem:$0x1E100] =	vst v63  }
0x2d: {  	s15 =	simm.s32 $0xA0  }
0x2e: {  	[tilespmem:s30], [sflag:$0x3] =	stream.indirect.gather [hbm4b:s1+s23], $0x80, s15, s23, $0xb8;
	[tilespmem:$0x1E100] =	vst v63  }
0x2f: {  	s16 =	rddreg [dreg:$0x8]  }
0x30: {  	[tilespmem:s31], [sflag:$0x6] =	stream.linear.gather [hbm4b:s16+s4], $0x50, $0x38;
	[tilespmem:$0x1E100] =	vst v63  }
0x31: {  	_ =	swait.ge [sflag:s2], $0x2800  }
0x32: {  	[sflag:s2] =	ssyncset.done $0x0  }
0x33: {  	[sflag:s2] =	ssyncadd.s32 $0xFFFFD800  }
0x34: {  	_ =	swait.ge [sflag:s0], $0x50  }
0x35: {  	[sflag:s0] =	ssyncset.done $0x0  }
0x36: {  	[sflag:s0] =	ssyncadd.s32 $0xFFFFFFB0  }
0x37: {  	[spmem:s3] =	stream.indirect.scatter.add.f32 [tilespmem:s24], [sflag:$0x7], $0x80, s25, s23, $0xb8;
	[tilespmem:$0x1E100] =	vst v63  }
0x38: {  	_ =	swait.ge [sflag:s20], $0x2800  }
0x39: {  	[sflag:s20] =	ssyncset.done $0x0  }
0x3a: {  	s8 =	simm.s32 $0xF0;
	s11 =	sshrl.u32 s18, $0x3;
	[sflag:s20] =	ssyncadd.s32 $0xFFFFD800  }
0x3b: {  	[tilespmem:s24], [sflag:$0x1] =	stream.indirect.gather [hbm4b:s1+s23], $0x80, s8, s23, $0xb8;
	[tilespmem:$0x1E100] =	vst v63  }
0x3c: {  	s12 =	sadd.s32 s5, s11  }
0x3d: {  	[tilespmem:s25], [sflag:$0x4] =	stream.linear.gather [hbm4b:s12+s4], $0x50, $0x38;
	[tilespmem:$0x1E100] =	vst v63  }
0x3e: {  	_ =	swait.ge [sflag:s21], $0x2800  }
0x3f: {  	[sflag:s21] =	ssyncset.done $0x0  }
0x40: {  	[sflag:s21] =	ssyncadd.s32 $0xFFFFD800  }
0x41: {  	_ =	swait.ge [sflag:s22], $0x50  }
0x42: {  	[sflag:s22] =	ssyncset.done $0x0  }
0x43: {  	[sflag:s22] =	ssyncadd.s32 $0xFFFFFFB0  }
0x44: {  	[spmem:s3] =	stream.indirect.scatter.add.f32 [tilespmem:s26], [sflag:$0x7], $0x80, s28, s23, $0xb8;
	[tilespmem:$0x1E100] =	vst v63  }
0x45: {  	_ =	swait.ge [sflag:s20], $0x2800  }
0x46: {  	[sflag:s20] =	ssyncset.done $0x0  }
0x47: {  	s13 =	simm.s32 $0x140;
	[sflag:s20] =	ssyncadd.s32 $0xFFFFD800  }
0x48: {  	[tilespmem:s26], [sflag:$0x2] =	stream.indirect.gather [hbm4b:s1+s23], $0x80, s13, s23, $0xb8;
	[tilespmem:$0x1E100] =	vst v63  }
0x49: {  	s15 =	rddreg [dreg:$0xd]  }
0x4a: {  	[tilespmem:s28], [sflag:$0x5] =	stream.linear.gather [hbm4b:s15+s4], $0x50, $0x38;
	[tilespmem:$0x1E100] =	vst v63  }
0x4b: {  	_ =	swait.ge [sflag:s29], $0x2800  }
0x4c: {  	[sflag:s29] =	ssyncset.done $0x0  }
0x4d: {  	[sflag:s29] =	ssyncadd.s32 $0xFFFFD800  }
0x4e: {  	_ =	swait.ge [sflag:s6], $0x50  }
0x4f: {  	[sflag:s6] =	ssyncset.done $0x0  }
0x50: {  	[sflag:s6] =	ssyncadd.s32 $0xFFFFFFB0  }
0x51: {  	[spmem:s3] =	stream.indirect.scatter.add.f32 [tilespmem:s30], [sflag:$0x7], $0x80, s31, s23, $0xb8;
	[tilespmem:$0x1E100] =	vst v63  }
0x52: {  	_ =	swait.ge [sflag:s20], $0x2800  }
0x53: {  	s10 =	simm.s32 $0x3C0;
	[sflag:s20] =	ssyncset.done $0x0  }
0x54: {  	s11 =	sadd.s32 $0x1E, s14;
	s16 =	simm.s32 $0x190;
	[sflag:s20] =	ssyncadd.s32 $0xFFFFD800  }
0x55: {  	[tilespmem:s30], [sflag:$0x3] =	stream.indirect.gather [hbm4b:s1+s23], $0x80, s16, s23, $0xb8;
	[tilespmem:$0x1E100] =	vst v63  }
0x56: {  	s12 =	sadd.s32 $0x1E, s15;
	s13 =	sadd.s32 $0xF0, s18;
	s16 =	smov.u32 s14  }
.LBB2_2:
0x57: {  	[tilespmem:s31], [sflag:$0x6] =	stream.linear.gather [hbm4b:s16+s4], $0x50, $0x38;
	[tilespmem:$0x1E100] =	vst v63  }
0x58: {  	s15 =	smov.u32 s10;
	s16 =	smov.u32 s11  }
0x59: {  	p0 =	sne.s32 s10, $0x9240;
	s10 =	sadd.s32 $0x3C0, s10;
	_ =	swait.ge [sflag:s2], $0x2800  }
0x5a: {  	[sflag:s2] =	ssyncset.done $0x0  }
0x5b: {  	[sflag:s2] =	ssyncadd.s32 $0xFFFFD800  }
0x5c: {  	_ =	swait.ge [sflag:s0], $0x50  }
0x5d: {  	[sflag:s0] =	ssyncset.done $0x0  }
0x5e: {  	[sflag:s0] =	ssyncadd.s32 $0xFFFFFFB0  }
0x5f: {  	[spmem:s3] =	stream.indirect.scatter.add.f32 [tilespmem:s24], [sflag:$0x7], $0x80, s25, s23, $0xb8;
	[tilespmem:$0x1E100] =	vst v63  }
0x60: {  	_ =	swait.ge [sflag:s20], $0x2800  }
0x61: {  	s15 =	sshra.s32 s15, $0x2;
	[sflag:s20] =	ssyncset.done $0x0  }
0x62: {  	s7 =	sshrl.u32 s13, $0x3;
	s8 =	sadd.s32 $0xF0, s15;
	[sflag:s20] =	ssyncadd.s32 $0xFFFFD800  }
0x63: {  	[tilespmem:s24], [sflag:$0x1] =	stream.indirect.gather [hbm4b:s1+s23], $0x80, s8, s23, $0xb8;
	[tilespmem:$0x1E100] =	vst v63  }
0x64: {  	s7 =	sadd.s32 s5, s7  }
0x65: {  	[tilespmem:s25], [sflag:$0x4] =	stream.linear.gather [hbm4b:s7+s4], $0x50, $0x38;
	[tilespmem:$0x1E100] =	vst v63  }
0x66: {  	_ =	swait.ge [sflag:s21], $0x2800  }
0x67: {  	[sflag:s21] =	ssyncset.done $0x0  }
0x68: {  	[sflag:s21] =	ssyncadd.s32 $0xFFFFD800  }
0x69: {  	_ =	swait.ge [sflag:s22], $0x50  }
0x6a: {  	[sflag:s22] =	ssyncset.done $0x0  }
0x6b: {  	[sflag:s22] =	ssyncadd.s32 $0xFFFFFFB0  }
0x6c: {  	[spmem:s3] =	stream.indirect.scatter.add.f32 [tilespmem:s26], [sflag:$0x7], $0x80, s28, s23, $0xb8;
	[tilespmem:$0x1E100] =	vst v63  }
0x6d: {  	_ =	swait.ge [sflag:s20], $0x2800  }
0x6e: {  	[sflag:s20] =	ssyncset.done $0x0  }
0x6f: {  	s7 =	sadd.s32 $0x140, s15;
	[sflag:s20] =	ssyncadd.s32 $0xFFFFD800  }
0x70: {  	[tilespmem:s26], [sflag:$0x2] =	stream.indirect.gather [hbm4b:s1+s23], $0x80, s7, s23, $0xb8;
	[tilespmem:$0x1E100] =	vst v63  }
0x71: {  	_ = 	snop  }
0x72: {  	[tilespmem:s28], [sflag:$0x5] =	stream.linear.gather [hbm4b:s12+s4], $0x50, $0x38;
	[tilespmem:$0x1E100] =	vst v63  }
0x73: {  	_ =	swait.ge [sflag:s29], $0x2800  }
0x74: {  	[sflag:s29] =	ssyncset.done $0x0  }
0x75: {  	[sflag:s29] =	ssyncadd.s32 $0xFFFFD800  }
0x76: {  	_ =	swait.ge [sflag:s6], $0x50  }
0x77: {  	[sflag:s6] =	ssyncset.done $0x0  }
0x78: {  	[sflag:s6] =	ssyncadd.s32 $0xFFFFFFB0  }
0x79: {  	[spmem:s3] =	stream.indirect.scatter.add.f32 [tilespmem:s30], [sflag:$0x7], $0x80, s31, s23, $0xb8;
	[tilespmem:$0x1E100] =	vst v63  }
.Ltmp0:
0x7a: {  	_ =	swait.ge [sflag:s20], $0x2800;
	(pc) =	sbr.rel @p0 .LBB2_2-.Ltmp0, $4  }
0x7b: {  	[sflag:s20] =	ssyncset.done $0x0  }
0x7c: {  	s7 =	sadd.s32 $0x190, s15;
	[sflag:s20] =	ssyncadd.s32 $0xFFFFD800  }
0x7d: {  	[tilespmem:s30], [sflag:$0x3] =	stream.indirect.gather [hbm4b:s1+s23], $0x80, s7, s23, $0xb8;
	[tilespmem:$0x1E100] =	vst v63  }
0x7e: {  	s11 =	sadd.s32 $0x1E, s11;
	s13 =	sadd.s32 $0xF0, s13;
	s12 =	sadd.s32 $0x1E, s12  }
0x7f: {  	[tilespmem:s31], [sflag:$0x6] =	stream.linear.gather [hbm4b:s16+s4], $0x50, $0x38;
	[tilespmem:$0x1E100] =	vst v63  }
0x80: {  	_ =	swait.ge [sflag:s2], $0x2800  }
0x81: {  	[sflag:s2] =	ssyncset.done $0x0  }
0x82: {  	[sflag:s2] =	ssyncadd.s32 $0xFFFFD800  }
0x83: {  	_ =	swait.ge [sflag:s0], $0x50  }
0x84: {  	[sflag:s0] =	ssyncset.done $0x0  }
0x85: {  	[sflag:s0] =	ssyncadd.s32 $0xFFFFFFB0  }
0x86: {  	[spmem:s3] =	stream.indirect.scatter.add.f32 [tilespmem:s24], [sflag:$0x7], $0x80, s25, s23, $0xb8;
	[tilespmem:$0x1E100] =	vst v63  }
0x87: {  	_ =	swait.ge [sflag:s20], $0x2800  }
0x88: {  	[sflag:s20] =	ssyncset.done $0x0  }
0x89: {  	s7 =	simm.s32 $0x2670;
	[sflag:s20] =	ssyncadd.s32 $0xFFFFD800  }
0x8a: {  	[tilespmem:s24], [sflag:$0x1] =	stream.indirect.gather [hbm4b:s1+s23], $0x80, s7, s23, $0xb8;
	[tilespmem:$0x1E100] =	vst v63  }
0x8b: {  	s12 =	rddreg [dreg:$0xb]  }
0x8c: {  	[tilespmem:s25], [sflag:$0x4] =	stream.linear.gather [hbm4b:s12+s4], $0x50, $0x38;
	[tilespmem:$0x1E100] =	vst v63  }
0x8d: {  	_ =	swait.ge [sflag:s21], $0x2800  }
0x8e: {  	[sflag:s21] =	ssyncset.done $0x0  }
0x8f: {  	[sflag:s21] =	ssyncadd.s32 $0xFFFFD800  }
0x90: {  	_ =	swait.ge [sflag:s22], $0x50  }
0x91: {  	[sflag:s22] =	ssyncset.done $0x0  }
0x92: {  	[sflag:s22] =	ssyncadd.s32 $0xFFFFFFB0  }
0x93: {  	[spmem:s3] =	stream.indirect.scatter.add.f32 [tilespmem:s26], [sflag:$0x7], $0x80, s28, s23, $0xb8;
	[tilespmem:$0x1E100] =	vst v63  }
0x94: {  	_ =	swait.ge [sflag:s20], $0x2800  }
0x95: {  	[sflag:s20] =	ssyncset.done $0x0  }
0x96: {  	s13 =	simm.s32 $0x26C0;
	[sflag:s20] =	ssyncadd.s32 $0xFFFFD800  }
0x97: {  	[tilespmem:s26], [sflag:$0x2] =	stream.indirect.gather [hbm4b:s1+s23], $0x80, s13, s23, $0xb8;
	[tilespmem:$0x1E100] =	vst v63  }
0x98: {  	s15 =	rddreg [dreg:$0xc]  }
0x99: {  	[tilespmem:s28], [sflag:$0x5] =	stream.linear.gather [hbm4b:s15+s4], $0x50, $0x38;
	[tilespmem:$0x1E100] =	vst v63  }
0x9a: {  	_ =	swait.ge [sflag:s29], $0x2800  }
0x9b: {  	[sflag:s29] =	ssyncset.done $0x0  }
0x9c: {  	[sflag:s29] =	ssyncadd.s32 $0xFFFFD800  }
0x9d: {  	_ =	swait.ge [sflag:s6], $0x50  }
0x9e: {  	[sflag:s6] =	ssyncset.done $0x0  }
0x9f: {  	[sflag:s6] =	ssyncadd.s32 $0xFFFFFFB0  }
0xa0: {  	[spmem:s3] =	stream.indirect.scatter.add.f32 [tilespmem:s30], [sflag:$0x7], $0x80, s31, s23, $0xb8;
	[tilespmem:$0x1E100] =	vst v63  }
0xa1: {  	_ =	swait.ge [sflag:s20], $0x2800  }
0xa2: {  	[sflag:s20] =	ssyncset.done $0x0  }
0xa3: {  	[sflag:s20] =	ssyncadd.s32 $0xFFFFD800  }
0xa4: {  	_ =	swait.ge [sflag:s2], $0x2800  }
0xa5: {  	[sflag:s2] =	ssyncset.done $0x0  }
0xa6: {  	[sflag:s2] =	ssyncadd.s32 $0xFFFFD800  }
0xa7: {  	_ =	swait.ge [sflag:s0], $0x50  }
0xa8: {  	[sflag:s0] =	ssyncset.done $0x0  }
0xa9: {  	[sflag:s0] =	ssyncadd.s32 $0xFFFFFFB0  }
0xaa: {  	[spmem:s3] =	stream.indirect.scatter.add.f32 [tilespmem:s24], [sflag:$0x7], $0x80, s25, s23, $0xb8;
	[tilespmem:$0x1E100] =	vst v63  }
0xab: {  	_ =	swait.ge [sflag:s20], $0x2800  }
0xac: {  	[sflag:s20] =	ssyncset.done $0x0  }
0xad: {  	[sflag:s20] =	ssyncadd.s32 $0xFFFFD800  }
0xae: {  	_ =	swait.ge [sflag:s21], $0x2800  }
0xaf: {  	[sflag:s21] =	ssyncset.done $0x0  }
0xb0: {  	[sflag:s21] =	ssyncadd.s32 $0xFFFFD800  }
0xb1: {  	_ =	swait.ge [sflag:s22], $0x50  }
0xb2: {  	[sflag:s22] =	ssyncset.done $0x0  }
0xb3: {  	[sflag:s22] =	ssyncadd.s32 $0xFFFFFFB0  }
0xb4: {  	[spmem:s3] =	stream.indirect.scatter.add.f32 [tilespmem:s26], [sflag:$0x7], $0x80, s28, s23, $0xb8;
	[tilespmem:$0x1E100] =	vst v63  }
0xb5: {  	_ =	swait.ge [sflag:s20], $0x2800  }
0xb6: {  	[sflag:s20] =	ssyncset.done $0x0  }
0xb7: {  	[sflag:s20] =	ssyncadd.s32 $0xFFFFD800  }
0xb8: {  	[bflag:$0x0] =	sbarrier.arrive $0xFFFF  }
0xb9: {  	s16 =	rddreg [dreg:$0x9]  }
0xba: {  	[hbm:s16], [sflag:s17] =	dma.local [spmem:s19], $0x2800  }
0xbb: {  	_ =	swait.ge [sflag:s20], $0x2800  }
0xbc: {  	s8 =	smov.u32 s17;
	s9 =	sadd.s32 $0x1, s9;
	s17 =	rddreg [dreg:$0xa]  }
0xbd: {  	p0 =	sne.s32 s9, s17  }
.Ltmp1:
0xbe: {  	_ = 	snop;
	(pc) =	sbr.rel @p0 .LBB2_1-.Ltmp1, $3  }
0xbf: {  	_ =	sdelay $0x1  }
0xc0: {  	[sflag:s20] =	ssyncset.done $0x0  }
0xc1: {  	[sflag:s20] =	ssyncadd.s32 $0xFFFFD800  }
0xc2: {  	_ =	sfence.sel $0x180000  }
0xc3: {  	[bflag:$0x0] =	sbarrier.arrive $0xFFFF  }
0xc4: {  	_ =	strace $0x9000004A  }
0xc5: {  	s0 =	stileid.u32;
	[bflag:$0x2] =	sbarrier.arrive $0xFFFF  }
0xc6: {  	p0 =	sne.s32 s0, $0x0;
	s0 =	rddreg [dreg:$0x3]  }
0xc7: {  	s0 =	sadd.s32 @!p0 $0x100000, s0  }
0xc8: {  	[sflag:s0] =	ssyncadd.tile.s32 @!p0 $0x1;
	_ =	shalt  }
.Lfunc_end2:
_tile_overlayer_lowered:
.L_overlay_start_2:
0xc9: {  	(tag) =	ssettag $0x2  }
0xca: {  	s0 =	rddreg [dreg:$0x0];
	s2 =	stileid.u32  }
0xcb: {  	s1 =	rddreg [dreg:$0x1];
	p0 =	sne.s32 s2, $0x0  }
0xcc: {  	s3 =	rddreg [dreg:$0x2];
	[bflag:$0x3] =	sbarrier.arrive $0xFFFF;
	s2 =	simm.s32 @!p0 $0x1C07  }
0xcd: {  	[timem:s3], [sflag:s2] =	dma.local @!p0 [hbm:s0], s1  }
0xce: {  	s0 =	simm.s32 @!p0 $0x7  }
0xcf: {  	_ =	swait.ge @!p0 [sflag:s0], s1  }
0xd0: {  	s1 =	ssub.s32 @!p0 $0x0, s1;
	[sflag:s0] =	ssyncset.done @!p0 $0x0  }
0xd1: {  	[sflag:s0] =	ssyncadd.s32 @!p0 s1  }
0xd2: {  	[bflag:$0x3] =	sbarrier.arrive $0xFFFF  }
0xd3: {  	_ =	shalt  }

// kernel: kernel.14.cloned.1.call-start
scs
__scs_entry_jumppad:
0x0: {  	(pc) =	sbr.rel $0x88, $3  }
0x1: {  	(tag) =	ssettag $0x0;
	lr =	simm.s32 $0x1  }
0x2: {  	[smem:$0x3F9B] =	sst lr;
	_ =	strace $0xD0000000  }
0x3: {  	_ = 	snop  }
0x4: {  	_ = 	snop  }
0x5: {  	_ = 	snop  }
0x6: {  	_ = 	snop  }
0x7: {  	_ = 	snop  }
__scs_overlays_trampoline_lowered:
0x8: {  	[smem:$0x3FAA] =	sst s0  }
0x9: {  	[smem:$0x3FAB] =	sst s1  }
0xa: {  	[smem:$0x3FAC] =	sst s2  }
0xb: {  	[smem:$0x3FAD] =	sst s3  }
0xc: {  	[smem:$0x3FAE] =	sst s4  }
0xd: {  	[smem:$0x3FAF] =	sst s5  }
0xe: {  	[smem:$0x3FB0] =	sst s6  }
0xf: {  	[smem:$0x3FB1] =	sst s7  }
0x10: {  	[smem:$0x3FB2] =	sst s8  }
0x11: {  	[smem:$0x3FB3] =	sst s9;
	s0 =	simm.s32 @!p0 $0x0  }
0x12: {  	s1 =	sld [smem:$0x3F99];
	s0 =	simm.s32 @p0 $0x1  }
0x13: {  	[smem:$0x3FB4] =	sst s0;
	s0 =	simm.s32 @!p1 $0x0  }
0x14: {  	s2 =	sld [smem:$0x3F98];
	s0 =	simm.s32 @p1 $0x1  }
0x15: {  	[smem:$0x3FB5] =	sst s0;
	s0 =	simm.s32 @!p2 $0x0  }
0x16: {  	s3 =	sld [smem:$0x3FDB];
	s0 =	simm.s32 @p2 $0x1  }
0x17: {  	s4 =	simm.s32 $0x1BF5;
	[smem:$0x3FB7] =	sst s0  }
0x18: {  	s0 =	sld [smem:$0x3F9A];
	_ =	swait.ge [sflag:s4], $0x0  }
0x19: {  	s7 =	sld [smem:$0x3F9B]  }
0x1a: {  	s8 =	sadd.s32 $0xFFFFE003, lr  }
0x1b: {  	s9 =	sadd.s32 $0xFFFFFEF7, lr;
	s5 =	simm.s32 $0xFFFFFFFF;
	p2 =	slt.u32 s8, $0xFFFFF086  }
0x1c: {  	p1 =	slt.u32 s9, $0xF7A;
	s5 =	simm.s32 @!p2 $0x0  }
0x1d: {  	s5 =	simm.s32 @p1 $0x1;
	p0 =	seq.s32 s7, s2  }
0x1e: {  	s7 =	smul.u32 @!p0 $0xF7A, s2;
	p2 =	seq.s32 @!p0 s5, $0x0  }
0x1f: {  	s9 =	smul.u32 $0xF7A, s1;
	s8 =	simm.s32 @!p0 $0x1BF5;
	p2 =	por !p2, p0  }
0x20: {  	[sflag:s8] =	ssyncset.s32 @!p0 $0xFFFFF086;
	s6 =	sadd.s32 @!p0 s3, s7;
	s7 =	simm.s32 @!p0 $0x108  }
0x21: {  	s3 =	sadd.s32 s3, s9;
	s6 =	sadd.s32 @!p0 $0x88, s6;
	s7 =	simm.s32 @p2 $0x1082  }
0x22: {  	[simem:s7], [sflag:s8] =	dma.local @!p0 [hbm:s6], $0xF7A  }
0x23: {  	s9 =	sor.u32 $0xD0000000, s2;
	s6 =	simm.s32 $0x108;
	_ =	swait.ge @!p0 [sflag:s8], $0x0  }
0x24: {  	s3 =	sadd.s32 $0x88, s3;
	s6 =	simm.s32 @!p1 $0x1082;
	[sflag:s4] =	ssyncset.s32 $0xFFFFF086  }
0x25: {  	[simem:s6], [sflag:s4] =	dma.local [hbm:s3], $0xF7A  }
0x26: {  	[smem:$0x3F9B] =	sst s1;
	(tag) =	ssettag s2;
	_ =	strace s9  }
0x27: {  	s1 =	sld [smem:$0x3FAB]  }
0x28: {  	s2 =	sld [smem:$0x3FAC]  }
0x29: {  	s4 =	sld [smem:$0x3FAE]  }
0x2a: {  	p0 =	seq.s32 s5, $0x0;
	s5 =	sld [smem:$0x3FAF]  }
0x2b: {  	s6 =	sld [smem:$0x3FB0]  }
0x2c: {  	s7 =	sld [smem:$0x3FB1]  }
0x2d: {  	s3 =	simm.s32 $0x108;
	s8 =	sld [smem:$0x3FB2]  }
0x2e: {  	s3 =	simm.s32 @!p0 $0x1082;
	s9 =	sld [smem:$0x3FB3]  }
0x2f: {  	lr =	sadd.s32 s0, s3;
	s0 =	sld [smem:$0x3FAA]  }
0x30: {  	s3 =	sld [smem:$0x3FAD]  }
0x31: {  	[smem:$0x3FB6] =	sst s10  }
0x32: {  	s10 =	sld [smem:$0x3FB4];
	_ =	sdelay $0x3  }
0x33: {  	p0 =	seq.s32 s10, $0x1;
	s10 =	sld [smem:$0x3FB6];
	_ =	sdelay $0x3  }
0x34: {  	[smem:$0x3FB6] =	sst s10  }
0x35: {  	s10 =	sld [smem:$0x3FB5];
	_ =	sdelay $0x3  }
0x36: {  	p1 =	seq.s32 s10, $0x1;
	s10 =	sld [smem:$0x3FB6];
	_ =	sdelay $0x3  }
0x37: {  	[smem:$0x3FB6] =	sst s10  }
0x38: {  	s10 =	sld [smem:$0x3FB7]  }
0x39: {  	_ = 	snop;
	(pc) =	sbr.ind lr, $3  }
0x3a: {  	_ = 	snop  }
0x3b: {  	_ = 	snop  }
0x3c: {  	p2 =	seq.s32 s10, $0x1;
	s10 =	sld [smem:$0x3FB6]  }
0x3d: {  	_ =	shalt  }
0x3e: {  	_ =	shalt  }
0x3f: {  	_ =	shalt  }
0x40: {  	_ =	shalt  }
0x41: {  	_ =	shalt  }
0x42: {  	_ =	shalt  }
0x43: {  	_ =	shalt  }
0x44: {  	_ =	shalt  }
0x45: {  	_ =	shalt  }
0x46: {  	_ =	shalt  }
0x47: {  	_ =	shalt  }
0x48: {  	_ =	shalt  }
0x49: {  	_ =	shalt  }
0x4a: {  	_ =	shalt  }
0x4b: {  	_ =	shalt  }
0x4c: {  	_ =	shalt  }
0x4d: {  	_ =	shalt  }
0x4e: {  	_ =	shalt  }
0x4f: {  	_ =	shalt  }
0x50: {  	_ =	shalt  }
0x51: {  	_ =	shalt  }
0x52: {  	_ =	shalt  }
0x53: {  	_ =	shalt  }
0x54: {  	_ =	shalt  }
0x55: {  	_ =	shalt  }
0x56: {  	_ =	shalt  }
0x57: {  	_ =	shalt  }
0x58: {  	_ =	shalt  }
0x59: {  	_ =	shalt  }
0x5a: {  	_ =	shalt  }
0x5b: {  	_ =	shalt  }
0x5c: {  	_ =	shalt  }
0x5d: {  	_ =	shalt  }
0x5e: {  	_ =	shalt  }
0x5f: {  	_ =	shalt  }
0x60: {  	_ =	shalt  }
0x61: {  	_ =	shalt  }
0x62: {  	_ =	shalt  }
0x63: {  	_ =	shalt  }
0x64: {  	_ =	shalt  }
0x65: {  	_ =	shalt  }
0x66: {  	_ =	shalt  }
0x67: {  	_ =	shalt  }
0x68: {  	_ =	shalt  }
0x69: {  	_ =	shalt  }
0x6a: {  	_ =	shalt  }
0x6b: {  	_ =	shalt  }
0x6c: {  	_ =	shalt  }
0x6d: {  	_ =	shalt  }
0x6e: {  	_ =	shalt  }
0x6f: {  	_ =	shalt  }
0x70: {  	_ =	shalt  }
0x71: {  	_ =	shalt  }
0x72: {  	_ =	shalt  }
0x73: {  	_ =	shalt  }
0x74: {  	_ =	shalt  }
0x75: {  	_ =	shalt  }
0x76: {  	_ =	shalt  }
0x77: {  	_ =	shalt  }
0x78: {  	_ =	shalt  }
0x79: {  	_ =	shalt  }
0x7a: {  	_ =	shalt  }
0x7b: {  	_ =	shalt  }
0x7c: {  	_ =	shalt  }
0x7d: {  	_ =	shalt  }
0x7e: {  	_ =	shalt  }
0x7f: {  	_ =	shalt  }
0x80: {  	_ =	shalt  }
0x81: {  	_ =	shalt  }
0x82: {  	_ =	shalt  }
0x83: {  	_ =	shalt  }
0x84: {  	_ =	shalt  }
0x85: {  	_ =	shalt  }
0x86: {  	_ =	shalt  }
0x87: {  	_ =	shalt  }
.Lfunc_end0:
.L_simem_size_0:
called_computation.2_lowered:
.L_overlay_start_0:
0x88: {  	s2 =	sld [smem:$0x3FD9]  }
0x89: {  	s3 =	sld [smem:$0x3FFE];
	_ =	sdelay $0x1  }
0x8a: {  	s1 =	srdreg.scid  }
0x8b: {  	s0 =	sand.u32 $0x1, s1  }
0x8c: {  	s17 =	sshll.u32 s0, $0xA;
	s2 =	sadd.s32 s3, s2  }
0x8d: {  	s2 =	sadd.s32 s2, s17  }
0x8e: {  	[smem:$0x3FC2] =	sst s2  }
0x8f: {  	_ = 	snop  }
0x90: {  	s2 =	sld [smem:$0x3FD0];
	(tm) =	ssettm $0x1  }
0x91: {  	s18 =	sld [smem:$0x3FFB];
	_ =	sdelay $0x3  }
0x92: {  	_ =	strace s18  }
0x93: {  	s3 =	sld [smem:$0x3FFC];
	_ =	sdelay $0x3  }
0x94: {  	_ =	strace s3  }
0x95: {  	s3 =	sld [smem:$0x3FFD];
	_ =	sdelay $0x3  }
0x96: {  	_ =	strace s3  }
0x97: {  	_ =	strace $0x8FFFFFFF  }
0x98: {  	s19 =	sld [smem:$0x3FDB];
	_ =	sdelay $0x1  }
0x99: {  	s4 =	simm.s32 $_scs_section_size  }
0x9a: {  	s5 =	simm.s32 $_size__tile_overlayer_lowered;
	s6 =	simm.s32 $_tile_overlayer_lowered  }
0x9b: {  	s22 =	simm.s32 $0x1BFF;
	s21 =	sshll.u32 s6, $0x1;
	s3 =	sadd.s32 s4, s19  }
0x9c: {  	s7 =	simm.s32 $0x0;
	s20 =	sshll.u32 s5, $0x1;
	s5 =	sadd.s32 s21, s3  }
0x9d: {  	[timem:s7], [sflag:s22] =	dma.local [hbm:s5], s20  }
0x9e: {  	_ =	swait.ge [sflag:s22], s20  }
0x9f: {  	s4 =	ssub.s32 $0x0, s20;
	[sflag:s22] =	ssyncset.done $0x0  }
0xa0: {  	[sflag:s22] =	ssyncadd.s32 s4;
	_ =	sdelay $0x1  }
0xa1: {  	s23 =	simm.s32 $0x1B8B  }
0xa2: {  	_ =	swait.ge [sflag:s23], $0x1  }
0xa3: {  	[sflag:s23] =	ssyncset.done $0x0  }
0xa4: {  	s25 =	simm.s32 $0x1B8E;
	s24 =	sld [smem:$0x3FFE];
	[sflag:s23] =	ssyncadd.s32 $0xFFFFFFFF  }
0xa5: {  	s26 =	simm.s32 $execute0_lowered;
	[smem:$0x3FD2] =	sst s25  }
0xa6: {  	s5 =	sshll.u32 s26, $0x1;
	_ =	strace $0x8000004C;
	[dreg:$0x1] =	wrdreg $0xFFFFFFFF  }
0xa7: {  	s28 =	simm.s32 $_size_execute0_lowered;
	s3 =	sadd.s32 s3, s5;
	[dreg:$0x0] =	wrdreg $0x0  }
0xa8: {  	s5 =	sshll.u32 s28, $0x1;
	[dreg:$0x2] =	wrdreg s3  }
0xa9: {  	[dreg:$0x3] =	wrdreg s5  }
0xaa: {  	[dreg:$0x4] =	wrdreg $0xC0  }
0xab: {  	_ =	task [dreg:s7], $0x5FFFF  }
0xac: {  	[dreg:$0x1] =	wrdreg $0xFFFFFFFF  }
0xad: {  	[dreg:$0x0] =	wrdreg $0x60  }
0xae: {  	[dreg:$0x2] =	wrdreg s2  }
0xaf: {  	[dreg:$0x3] =	wrdreg s24  }
0xb0: {  	[dreg:$0x4] =	wrdreg $0xA1000  }
0xb1: {  	[dreg:$0x5] =	wrdreg $0x9  }
0xb2: {  	_ =	task.clear_ibuf [dreg:s7], $0x6FFFF;
	_ =	strace $0x9000004C  }
0xb3: {  	s29 =	simm.s32 $0x9;
	_ =	strace $0x8000004E  }
0xb4: {  	_ =	swait.ge [sflag:s29], $0x1  }
0xb5: {  	[sflag:s29] =	ssyncadd.s32 $0xFFFFFFFF  }
0xb6: {  	_ =	strace $0x9000004E  }
0xb7: {  	_ =	sfence  }
0xb8: {  	s30 =	sld [smem:$0x0];
	_ =	sdelay $0x2  }
0xb9: {  	s31 =	sshll.u32 s1, $0xD;
	s1 =	sshrl.u32 s1, $0x2  }
0xba: {  	s3 =	sand.u32 $0x4000, s31;
	s1 =	sadd.s32 s1, s30  }
0xbb: {  	s0 =	sor.u32 s3, s0;
	s1 =	sshll.u32 s1, $0x11  }
0xbc: {  	s0 =	sor.u32 s1, s0  }
0xbd: {  	s0 =	sadd.s32 $0x8F2B, s0  }
0xbe: {  	[sflag:s0] =	ssyncadd.remote.s32 $0x1  }
0xbf: {  	_ =	sfence.sel $0xFFFF  }
0xc0: {  	[dreg:$0x0] =	wrdreg $0xFFFFFFFF;
	(pc) =	sbr.abs _section_cstart, $3  }
0xc1: {  	[dreg:$0x1] =	wrdreg $0xFFFFFFFF  }
0xc2: {  	_ =	task.clear_ibuf [dreg:s7], $0x2FFFF;
	_ =	strace $0x9FFFFFFF  }
0xc3: {  	(tm) =	ssettm $0x7FFFFFFF  }
tec
execute0_lowered:
.L_overlay_start_1:
0x0: {  	(tag) =	ssettag $0x1  }
0x1: {  	s0 =	srdreg.scid;
	s1 =	rddreg [dreg:$0x0]  }
0x2: {  	s12 =	stileid.u32;
	s6 =	rddreg [dreg:$0x1]  }
0x3: {  	s3 =	rddreg [dreg:$0x2];
	s28 =	simm.s32 $0x2800;
	s30 =	simm.s32 $0x7900  }
0x4: {  	s31 =	simm.s32 $0x2880;
	s29 =	simm.s32 $0x3;
	s8 =	smul.u32 $0x14000, s12  }
0x5: {  	s0 =	sand.u32 $0x1, s0;
	s11 =	sshll.u32 s12, $0x7;
	s14 =	smul.u32 $0x50000, s12  }
0x6: {  	s10 =	sadd.s32 $0xBC00, s6;
	s17 =	sshll.u32 s12, $0x6;
	s19 =	smul.u32 $0x2710, s12  }
0x7: {  	s2 =	sshll.u32 s0, $0x4;
	s7 =	sand.u32 $0x380, s11;
	s13 =	smul.u32 $0x140000, s0  }
0x8: {  	s15 =	ssub.s32 $0x2, s0;
	s0 =	smul.u32 $0x27100, s0;
	s2 =	sor.u32 s12, s2  }
0x9: {  	s11 =	sshrl.u32 s15, $0x1;
	s4 =	sshrl.u32 s2, $0x3;
	s2 =	smul.u32 $0x2710, s2  }
0xa: {  	s0 =	sadd.s32 s19, s0;
	s5 =	smul.u32 $0x13C00, s4;
	s4 =	simm.s32 $0x0  }
0xb: {  	s24 =	sadd.s32 $0x190, s0;
	s25 =	sadd.s32 $0x140, s0;
	[smem:$0x7FF] =	sst s4  }
0xc: {  	s2 =	sshrl.u32 s2, $0x3;
	s5 =	sor.u32 s7, s5;
	_ =	strace $0x8000004D  }
0xd: {  	s7 =	sadd.s32 s8, s13;
	[dreg:$0x4] =	wrdreg s10;
	s8 =	sshrl.u32 s14, $0x2  }
0xe: {  	s10 =	ssub.s32 s15, s11;
	s5 =	sshrl.u32 s5, $0x3;
	s7 =	sshrl.u32 s7, $0x3  }
0xf: {  	s16 =	sadd.s32 s8, s3;
	s8 =	sor.u32 $0x1C07, s17;
	s22 =	smax.u32 s10, $0x1  }
0x10: {  	s9 =	sadd.s32 s5, s6;
	s5 =	sadd.s32 $0x1E00, s6;
	s6 =	sadd.s32 s7, s6  }
0x11: {  	[dreg:$0xa] =	wrdreg s22;
	s19 =	sshrl.u32 s16, $0x3;
	s22 =	simm.s32 $0x5  }
0x12: {  	s18 =	sadd.s32 s5, s2;
	s9 =	sadd.s32 $0x5E400, s9;
	s6 =	sadd.s32 $0xE400, s6  }
0x13: {  	s2 =	sshrl.u32 s24, $0x3;
	s24 =	simm.s32 $0x2900;
	[dreg:$0x6] =	wrdreg s9  }
0x14: {  	s20 =	sadd.s32 $0xA, s18;
	s21 =	sadd.s32 $0x14, s18;
	[dreg:$0x9] =	wrdreg s6  }
0x15: {  	s23 =	sadd.s32 $0x4CE, s18;
	[dreg:$0x5] =	wrdreg s18;
	s7 =	sadd.s32 $0x4D8, s18  }
0x16: {  	s6 =	sshrl.u32 s25, $0x3;
	s14 =	sadd.s32 s2, s5;
	[dreg:$0x7] =	wrdreg s20  }
0x17: {  	s18 =	sadd.s32 $0xF0, s0;
	s25 =	simm.s32 $0x2780;
	[dreg:$0x8] =	wrdreg s21  }
0x18: {  	s2 =	simm.s32 $0x1;
	s0 =	simm.s32 $0x4;
	[dreg:$0xb] =	wrdreg s23  }
0x19: {  	s9 =	simm.s32 $0x0;
	[dreg:$0xc] =	wrdreg s7;
	s26 =	sadd.s32 s6, s5  }
0x1a: {  	s20 =	simm.s32 $0x7;
	s23 =	simm.s32 $0x50;
	s21 =	simm.s32 $0x2  }
0x1b: {  	s6 =	simm.s32 $0x6;
	[dreg:$0xd] =	wrdreg s26;
	s26 =	simm.s32 $0x5100  }
.LBB2_1:
0x1c: {  	s7 =	rddreg [dreg:$0x4]  }
0x1d: {  	[spmem:s19], [sflag:s8] =	dma.local [hbm:s7], $0x2800  }
0x1e: {  	_ =	swait.ge [sflag:s20], $0x2800  }
0x1f: {  	s17 =	smov.u32 s8;
	s11 =	simm.s32 $0x80;
	[sflag:s20] =	ssyncset.done $0x0  }
0x20: {  	s10 =	simm.s32 $0x400;
	s8 =	rddreg [dreg:$0x6];
	[sflag:s20] =	ssyncadd.s32 $0xFFFFD800  }
0x21: {  	[tilespmem:s4], [sflag:$0x7] =	stream.strided.gather [hbm4b:s8+s11], $0x2780, s10, s11, $0x38;
	[tilespmem:$0x1E100] =	vst v63  }
0x22: {  	_ =	swait.ge [sflag:s20], $0x2780  }
0x23: {  	[sflag:s20] =	ssyncset.done $0x0  }
0x24: {  	[sflag:s20] =	ssyncadd.s32 $0xFFFFD880  }
0x25: {  	[bflag:$0x0] =	sbarrier.arrive $0xFFFF  }
0x26: {  	[tilespmem:s24], [sflag:$0x1] =	stream.indirect.gather [hbm4b:s1+s23], $0x80, s4, s23, $0xb8;
	[tilespmem:$0x1E100] =	vst v63  }
0x27: {  	s12 =	rddreg [dreg:$0x5]  }
0x28: {  	[tilespmem:s25], [sflag:$0x4] =	stream.linear.gather [hbm4b:s12+s4], $0x50, $0x38;
	[tilespmem:$0x1E100] =	vst v63  }
0x29: {  	_ = 	snop  }
0x2a: {  	[tilespmem:s26], [sflag:$0x2] =	stream.indirect.gather [hbm4b:s1+s23], $0x80, s23, s23, $0xb8;
	[tilespmem:$0x1E100] =	vst v63  }
0x2b: {  	s13 =	rddreg [dreg:$0x7]  }
0x2c: {  	[tilespmem:s28], [sflag:$0x5] =	stream.linear.gather [hbm4b:s13+s4], $0x50, $0x38;
	[tilespmem:$0x1E100] =	vst v63  }
0x2d: {  	s15 =	simm.s32 $0xA0  }
0x2e: {  	[tilespmem:s30], [sflag:$0x3] =	stream.indirect.gather [hbm4b:s1+s23], $0x80, s15, s23, $0xb8;
	[tilespmem:$0x1E100] =	vst v63  }
0x2f: {  	s16 =	rddreg [dreg:$0x8]  }
0x30: {  	[tilespmem:s31], [sflag:$0x6] =	stream.linear.gather [hbm4b:s16+s4], $0x50, $0x38;
	[tilespmem:$0x1E100] =	vst v63  }
0x31: {  	_ =	swait.ge [sflag:s2], $0x2800  }
0x32: {  	[sflag:s2] =	ssyncset.done $0x0  }
0x33: {  	[sflag:s2] =	ssyncadd.s32 $0xFFFFD800  }
0x34: {  	_ =	swait.ge [sflag:s0], $0x50  }
0x35: {  	[sflag:s0] =	ssyncset.done $0x0  }
0x36: {  	[sflag:s0] =	ssyncadd.s32 $0xFFFFFFB0  }
0x37: {  	[spmem:s3] =	stream.indirect.scatter.add.f32 [tilespmem:s24], [sflag:$0x7], $0x80, s25, s23, $0xb8;
	[tilespmem:$0x1E100] =	vst v63  }
0x38: {  	_ =	swait.ge [sflag:s20], $0x2800  }
0x39: {  	[sflag:s20] =	ssyncset.done $0x0  }
0x3a: {  	s8 =	simm.s32 $0xF0;
	s11 =	sshrl.u32 s18, $0x3;
	[sflag:s20] =	ssyncadd.s32 $0xFFFFD800  }
0x3b: {  	[tilespmem:s24], [sflag:$0x1] =	stream.indirect.gather [hbm4b:s1+s23], $0x80, s8, s23, $0xb8;
	[tilespmem:$0x1E100] =	vst v63  }
0x3c: {  	s12 =	sadd.s32 s5, s11  }
0x3d: {  	[tilespmem:s25], [sflag:$0x4] =	stream.linear.gather [hbm4b:s12+s4], $0x50, $0x38;
	[tilespmem:$0x1E100] =	vst v63  }
0x3e: {  	_ =	swait.ge [sflag:s21], $0x2800  }
0x3f: {  	[sflag:s21] =	ssyncset.done $0x0  }
0x40: {  	[sflag:s21] =	ssyncadd.s32 $0xFFFFD800  }
0x41: {  	_ =	swait.ge [sflag:s22], $0x50  }
0x42: {  	[sflag:s22] =	ssyncset.done $0x0  }
0x43: {  	[sflag:s22] =	ssyncadd.s32 $0xFFFFFFB0  }
0x44: {  	[spmem:s3] =	stream.indirect.scatter.add.f32 [tilespmem:s26], [sflag:$0x7], $0x80, s28, s23, $0xb8;
	[tilespmem:$0x1E100] =	vst v63  }
0x45: {  	_ =	swait.ge [sflag:s20], $0x2800  }
0x46: {  	[sflag:s20] =	ssyncset.done $0x0  }
0x47: {  	s13 =	simm.s32 $0x140;
	[sflag:s20] =	ssyncadd.s32 $0xFFFFD800  }
0x48: {  	[tilespmem:s26], [sflag:$0x2] =	stream.indirect.gather [hbm4b:s1+s23], $0x80, s13, s23, $0xb8;
	[tilespmem:$0x1E100] =	vst v63  }
0x49: {  	s15 =	rddreg [dreg:$0xd]  }
0x4a: {  	[tilespmem:s28], [sflag:$0x5] =	stream.linear.gather [hbm4b:s15+s4], $0x50, $0x38;
	[tilespmem:$0x1E100] =	vst v63  }
0x4b: {  	_ =	swait.ge [sflag:s29], $0x2800  }
0x4c: {  	[sflag:s29] =	ssyncset.done $0x0  }
0x4d: {  	[sflag:s29] =	ssyncadd.s32 $0xFFFFD800  }
0x4e: {  	_ =	swait.ge [sflag:s6], $0x50  }
0x4f: {  	[sflag:s6] =	ssyncset.done $0x0  }
0x50: {  	[sflag:s6] =	ssyncadd.s32 $0xFFFFFFB0  }
0x51: {  	[spmem:s3] =	stream.indirect.scatter.add.f32 [tilespmem:s30], [sflag:$0x7], $0x80, s31, s23, $0xb8;
	[tilespmem:$0x1E100] =	vst v63  }
0x52: {  	_ =	swait.ge [sflag:s20], $0x2800  }
0x53: {  	s10 =	simm.s32 $0x3C0;
	[sflag:s20] =	ssyncset.done $0x0  }
0x54: {  	s11 =	sadd.s32 $0x1E, s14;
	s16 =	simm.s32 $0x190;
	[sflag:s20] =	ssyncadd.s32 $0xFFFFD800  }
0x55: {  	[tilespmem:s30], [sflag:$0x3] =	stream.indirect.gather [hbm4b:s1+s23], $0x80, s16, s23, $0xb8;
	[tilespmem:$0x1E100] =	vst v63  }
0x56: {  	s12 =	sadd.s32 $0x1E, s15;
	s13 =	sadd.s32 $0xF0, s18;
	s16 =	smov.u32 s14  }
.LBB2_2:
0x57: {  	[tilespmem:s31], [sflag:$0x6] =	stream.linear.gather [hbm4b:s16+s4], $0x50, $0x38;
	[tilespmem:$0x1E100] =	vst v63  }
0x58: {  	s15 =	smov.u32 s10;
	s16 =	smov.u32 s11  }
0x59: {  	p0 =	sne.s32 s10, $0x9240;
	s10 =	sadd.s32 $0x3C0, s10;
	_ =	swait.ge [sflag:s2], $0x2800  }
0x5a: {  	[sflag:s2] =	ssyncset.done $0x0  }
0x5b: {  	[sflag:s2] =	ssyncadd.s32 $0xFFFFD800  }
0x5c: {  	_ =	swait.ge [sflag:s0], $0x50  }
0x5d: {  	[sflag:s0] =	ssyncset.done $0x0  }
0x5e: {  	[sflag:s0] =	ssyncadd.s32 $0xFFFFFFB0  }
0x5f: {  	[spmem:s3] =	stream.indirect.scatter.add.f32 [tilespmem:s24], [sflag:$0x7], $0x80, s25, s23, $0xb8;
	[tilespmem:$0x1E100] =	vst v63  }
0x60: {  	_ =	swait.ge [sflag:s20], $0x2800  }
0x61: {  	s15 =	sshra.s32 s15, $0x2;
	[sflag:s20] =	ssyncset.done $0x0  }
0x62: {  	s7 =	sshrl.u32 s13, $0x3;
	s8 =	sadd.s32 $0xF0, s15;
	[sflag:s20] =	ssyncadd.s32 $0xFFFFD800  }
0x63: {  	[tilespmem:s24], [sflag:$0x1] =	stream.indirect.gather [hbm4b:s1+s23], $0x80, s8, s23, $0xb8;
	[tilespmem:$0x1E100] =	vst v63  }
0x64: {  	s7 =	sadd.s32 s5, s7  }
0x65: {  	[tilespmem:s25], [sflag:$0x4] =	stream.linear.gather [hbm4b:s7+s4], $0x50, $0x38;
	[tilespmem:$0x1E100] =	vst v63  }
0x66: {  	_ =	swait.ge [sflag:s21], $0x2800  }
0x67: {  	[sflag:s21] =	ssyncset.done $0x0  }
0x68: {  	[sflag:s21] =	ssyncadd.s32 $0xFFFFD800  }
0x69: {  	_ =	swait.ge [sflag:s22], $0x50  }
0x6a: {  	[sflag:s22] =	ssyncset.done $0x0  }
0x6b: {  	[sflag:s22] =	ssyncadd.s32 $0xFFFFFFB0  }
0x6c: {  	[spmem:s3] =	stream.indirect.scatter.add.f32 [tilespmem:s26], [sflag:$0x7], $0x80, s28, s23, $0xb8;
	[tilespmem:$0x1E100] =	vst v63  }
0x6d: {  	_ =	swait.ge [sflag:s20], $0x2800  }
0x6e: {  	[sflag:s20] =	ssyncset.done $0x0  }
0x6f: {  	s7 =	sadd.s32 $0x140, s15;
	[sflag:s20] =	ssyncadd.s32 $0xFFFFD800  }
0x70: {  	[tilespmem:s26], [sflag:$0x2] =	stream.indirect.gather [hbm4b:s1+s23], $0x80, s7, s23, $0xb8;
	[tilespmem:$0x1E100] =	vst v63  }
0x71: {  	_ = 	snop  }
0x72: {  	[tilespmem:s28], [sflag:$0x5] =	stream.linear.gather [hbm4b:s12+s4], $0x50, $0x38;
	[tilespmem:$0x1E100] =	vst v63  }
0x73: {  	_ =	swait.ge [sflag:s29], $0x2800  }
0x74: {  	[sflag:s29] =	ssyncset.done $0x0  }
0x75: {  	[sflag:s29] =	ssyncadd.s32 $0xFFFFD800  }
0x76: {  	_ =	swait.ge [sflag:s6], $0x50  }
0x77: {  	[sflag:s6] =	ssyncset.done $0x0  }
0x78: {  	[sflag:s6] =	ssyncadd.s32 $0xFFFFFFB0  }
0x79: {  	[spmem:s3] =	stream.indirect.scatter.add.f32 [tilespmem:s30], [sflag:$0x7], $0x80, s31, s23, $0xb8;
	[tilespmem:$0x1E100] =	vst v63  }
.Ltmp0:
0x7a: {  	_ =	swait.ge [sflag:s20], $0x2800;
	(pc) =	sbr.rel @p0 .LBB2_2-.Ltmp0, $4  }
0x7b: {  	[sflag:s20] =	ssyncset.done $0x0  }
0x7c: {  	s7 =	sadd.s32 $0x190, s15;
	[sflag:s20] =	ssyncadd.s32 $0xFFFFD800  }
0x7d: {  	[tilespmem:s30], [sflag:$0x3] =	stream.indirect.gather [hbm4b:s1+s23], $0x80, s7, s23, $0xb8;
	[tilespmem:$0x1E100] =	vst v63  }
0x7e: {  	s11 =	sadd.s32 $0x1E, s11;
	s13 =	sadd.s32 $0xF0, s13;
	s12 =	sadd.s32 $0x1E, s12  }
0x7f: {  	[tilespmem:s31], [sflag:$0x6] =	stream.linear.gather [hbm4b:s16+s4], $0x50, $0x38;
	[tilespmem:$0x1E100] =	vst v63  }
0x80: {  	_ =	swait.ge [sflag:s2], $0x2800  }
0x81: {  	[sflag:s2] =	ssyncset.done $0x0  }
0x82: {  	[sflag:s2] =	ssyncadd.s32 $0xFFFFD800  }
0x83: {  	_ =	swait.ge [sflag:s0], $0x50  }
0x84: {  	[sflag:s0] =	ssyncset.done $0x0  }
0x85: {  	[sflag:s0] =	ssyncadd.s32 $0xFFFFFFB0  }
0x86: {  	[spmem:s3] =	stream.indirect.scatter.add.f32 [tilespmem:s24], [sflag:$0x7], $0x80, s25, s23, $0xb8;
	[tilespmem:$0x1E100] =	vst v63  }
0x87: {  	_ =	swait.ge [sflag:s20], $0x2800  }
0x88: {  	[sflag:s20] =	ssyncset.done $0x0  }
0x89: {  	s7 =	simm.s32 $0x2670;
	[sflag:s20] =	ssyncadd.s32 $0xFFFFD800  }
0x8a: {  	[tilespmem:s24], [sflag:$0x1] =	stream.indirect.gather [hbm4b:s1+s23], $0x80, s7, s23, $0xb8;
	[tilespmem:$0x1E100] =	vst v63  }
0x8b: {  	s12 =	rddreg [dreg:$0xb]  }
0x8c: {  	[tilespmem:s25], [sflag:$0x4] =	stream.linear.gather [hbm4b:s12+s4], $0x50, $0x38;
	[tilespmem:$0x1E100] =	vst v63  }
0x8d: {  	_ =	swait.ge [sflag:s21], $0x2800  }
0x8e: {  	[sflag:s21] =	ssyncset.done $0x0  }
0x8f: {  	[sflag:s21] =	ssyncadd.s32 $0xFFFFD800  }
0x90: {  	_ =	swait.ge [sflag:s22], $0x50  }
0x91: {  	[sflag:s22] =	ssyncset.done $0x0  }
0x92: {  	[sflag:s22] =	ssyncadd.s32 $0xFFFFFFB0  }
0x93: {  	[spmem:s3] =	stream.indirect.scatter.add.f32 [tilespmem:s26], [sflag:$0x7], $0x80, s28, s23, $0xb8;
	[tilespmem:$0x1E100] =	vst v63  }
0x94: {  	_ =	swait.ge [sflag:s20], $0x2800  }
0x95: {  	[sflag:s20] =	ssyncset.done $0x0  }
0x96: {  	s13 =	simm.s32 $0x26C0;
	[sflag:s20] =	ssyncadd.s32 $0xFFFFD800  }
0x97: {  	[tilespmem:s26], [sflag:$0x2] =	stream.indirect.gather [hbm4b:s1+s23], $0x80, s13, s23, $0xb8;
	[tilespmem:$0x1E100] =	vst v63  }
0x98: {  	s15 =	rddreg [dreg:$0xc]  }
0x99: {  	[tilespmem:s28], [sflag:$0x5] =	stream.linear.gather [hbm4b:s15+s4], $0x50, $0x38;
	[tilespmem:$0x1E100] =	vst v63  }
0x9a: {  	_ =	swait.ge [sflag:s29], $0x2800  }
0x9b: {  	[sflag:s29] =	ssyncset.done $0x0  }
0x9c: {  	[sflag:s29] =	ssyncadd.s32 $0xFFFFD800  }
0x9d: {  	_ =	swait.ge [sflag:s6], $0x50  }
0x9e: {  	[sflag:s6] =	ssyncset.done $0x0  }
0x9f: {  	[sflag:s6] =	ssyncadd.s32 $0xFFFFFFB0  }
0xa0: {  	[spmem:s3] =	stream.indirect.scatter.add.f32 [tilespmem:s30], [sflag:$0x7], $0x80, s31, s23, $0xb8;
	[tilespmem:$0x1E100] =	vst v63  }
0xa1: {  	_ =	swait.ge [sflag:s20], $0x2800  }
0xa2: {  	[sflag:s20] =	ssyncset.done $0x0  }
0xa3: {  	[sflag:s20] =	ssyncadd.s32 $0xFFFFD800  }
0xa4: {  	_ =	swait.ge [sflag:s2], $0x2800  }
0xa5: {  	[sflag:s2] =	ssyncset.done $0x0  }
0xa6: {  	[sflag:s2] =	ssyncadd.s32 $0xFFFFD800  }
0xa7: {  	_ =	swait.ge [sflag:s0], $0x50  }
0xa8: {  	[sflag:s0] =	ssyncset.done $0x0  }
0xa9: {  	[sflag:s0] =	ssyncadd.s32 $0xFFFFFFB0  }
0xaa: {  	[spmem:s3] =	stream.indirect.scatter.add.f32 [tilespmem:s24], [sflag:$0x7], $0x80, s25, s23, $0xb8;
	[tilespmem:$0x1E100] =	vst v63  }
0xab: {  	_ =	swait.ge [sflag:s20], $0x2800  }
0xac: {  	[sflag:s20] =	ssyncset.done $0x0  }
0xad: {  	[sflag:s20] =	ssyncadd.s32 $0xFFFFD800  }
0xae: {  	_ =	swait.ge [sflag:s21], $0x2800  }
0xaf: {  	[sflag:s21] =	ssyncset.done $0x0  }
0xb0: {  	[sflag:s21] =	ssyncadd.s32 $0xFFFFD800  }
0xb1: {  	_ =	swait.ge [sflag:s22], $0x50  }
0xb2: {  	[sflag:s22] =	ssyncset.done $0x0  }
0xb3: {  	[sflag:s22] =	ssyncadd.s32 $0xFFFFFFB0  }
0xb4: {  	[spmem:s3] =	stream.indirect.scatter.add.f32 [tilespmem:s26], [sflag:$0x7], $0x80, s28, s23, $0xb8;
	[tilespmem:$0x1E100] =	vst v63  }
0xb5: {  	_ =	swait.ge [sflag:s20], $0x2800  }
0xb6: {  	[sflag:s20] =	ssyncset.done $0x0  }
0xb7: {  	[sflag:s20] =	ssyncadd.s32 $0xFFFFD800  }
0xb8: {  	[bflag:$0x0] =	sbarrier.arrive $0xFFFF  }
0xb9: {  	s16 =	rddreg [dreg:$0x9]  }
0xba: {  	[hbm:s16], [sflag:s17] =	dma.local [spmem:s19], $0x2800  }
0xbb: {  	_ =	swait.ge [sflag:s20], $0x2800  }
0xbc: {  	s8 =	smov.u32 s17;
	s9 =	sadd.s32 $0x1, s9;
	s17 =	rddreg [dreg:$0xa]  }
0xbd: {  	p0 =	sne.s32 s9, s17  }
.Ltmp1:
0xbe: {  	_ = 	snop;
	(pc) =	sbr.rel @p0 .LBB2_1-.Ltmp1, $3  }
0xbf: {  	_ =	sdelay $0x1  }
0xc0: {  	[sflag:s20] =	ssyncset.done $0x0  }
0xc1: {  	[sflag:s20] =	ssyncadd.s32 $0xFFFFD800  }
0xc2: {  	_ =	sfence.sel $0x180000  }
0xc3: {  	[bflag:$0x0] =	sbarrier.arrive $0xFFFF  }
0xc4: {  	_ =	strace $0x9000004D  }
0xc5: {  	s0 =	stileid.u32;
	[bflag:$0x2] =	sbarrier.arrive $0xFFFF  }
0xc6: {  	p0 =	sne.s32 s0, $0x0;
	s0 =	rddreg [dreg:$0x3]  }
0xc7: {  	s0 =	sadd.s32 @!p0 $0x100000, s0  }
0xc8: {  	[sflag:s0] =	ssyncadd.tile.s32 @!p0 $0x1;
	_ =	shalt  }
.Lfunc_end2:
_tile_overlayer_lowered:
.L_overlay_start_2:
0xc9: {  	(tag) =	ssettag $0x2  }
0xca: {  	s0 =	rddreg [dreg:$0x0];
	s2 =	stileid.u32  }
0xcb: {  	s1 =	rddreg [dreg:$0x1];
	p0 =	sne.s32 s2, $0x0  }
0xcc: {  	s3 =	rddreg [dreg:$0x2];
	[bflag:$0x3] =	sbarrier.arrive $0xFFFF;
	s2 =	simm.s32 @!p0 $0x1C07  }
0xcd: {  	[timem:s3], [sflag:s2] =	dma.local @!p0 [hbm:s0], s1  }
0xce: {  	s0 =	simm.s32 @!p0 $0x7  }
0xcf: {  	_ =	swait.ge @!p0 [sflag:s0], s1  }
0xd0: {  	s1 =	ssub.s32 @!p0 $0x0, s1;
	[sflag:s0] =	ssyncset.done @!p0 $0x0  }
0xd1: {  	[sflag:s0] =	ssyncadd.s32 @!p0 s1  }
0xd2: {  	[bflag:$0x3] =	sbarrier.arrive $0xFFFF  }
0xd3: {  	_ =	shalt  }

// kernel: kernel.8.cloned.1.call-start
scs
__scs_entry_jumppad:
0x0: {  	(pc) =	sbr.rel $0x88, $3  }
0x1: {  	(tag) =	ssettag $0x0;
	lr =	simm.s32 $0x1  }
0x2: {  	[smem:$0x3F9B] =	sst lr;
	_ =	strace $0xD0000000  }
0x3: {  	_ = 	snop  }
0x4: {  	_ = 	snop  }
0x5: {  	_ = 	snop  }
0x6: {  	_ = 	snop  }
0x7: {  	_ = 	snop  }
__scs_overlays_trampoline_lowered:
0x8: {  	[smem:$0x3FAA] =	sst s0  }
0x9: {  	[smem:$0x3FAB] =	sst s1  }
0xa: {  	[smem:$0x3FAC] =	sst s2  }
0xb: {  	[smem:$0x3FAD] =	sst s3  }
0xc: {  	[smem:$0x3FAE] =	sst s4  }
0xd: {  	[smem:$0x3FAF] =	sst s5  }
0xe: {  	[smem:$0x3FB0] =	sst s6  }
0xf: {  	[smem:$0x3FB1] =	sst s7  }
0x10: {  	[smem:$0x3FB2] =	sst s8  }
0x11: {  	[smem:$0x3FB3] =	sst s9;
	s0 =	simm.s32 @!p0 $0x0  }
0x12: {  	s1 =	sld [smem:$0x3F99];
	s0 =	simm.s32 @p0 $0x1  }
0x13: {  	[smem:$0x3FB4] =	sst s0;
	s0 =	simm.s32 @!p1 $0x0  }
0x14: {  	s2 =	sld [smem:$0x3F98];
	s0 =	simm.s32 @p1 $0x1  }
0x15: {  	[smem:$0x3FB5] =	sst s0;
	s0 =	simm.s32 @!p2 $0x0  }
0x16: {  	s3 =	sld [smem:$0x3FDB];
	s0 =	simm.s32 @p2 $0x1  }
0x17: {  	s4 =	simm.s32 $0x1BF5;
	[smem:$0x3FB7] =	sst s0  }
0x18: {  	s0 =	sld [smem:$0x3F9A];
	_ =	swait.ge [sflag:s4], $0x0  }
0x19: {  	s7 =	sld [smem:$0x3F9B]  }
0x1a: {  	s8 =	sadd.s32 $0xFFFFE003, lr  }
0x1b: {  	s9 =	sadd.s32 $0xFFFFFEF7, lr;
	s5 =	simm.s32 $0xFFFFFFFF;
	p2 =	slt.u32 s8, $0xFFFFF086  }
0x1c: {  	p1 =	slt.u32 s9, $0xF7A;
	s5 =	simm.s32 @!p2 $0x0  }
0x1d: {  	s5 =	simm.s32 @p1 $0x1;
	p0 =	seq.s32 s7, s2  }
0x1e: {  	s7 =	smul.u32 @!p0 $0xF7A, s2;
	p2 =	seq.s32 @!p0 s5, $0x0  }
0x1f: {  	s9 =	smul.u32 $0xF7A, s1;
	s8 =	simm.s32 @!p0 $0x1BF5;
	p2 =	por !p2, p0  }
0x20: {  	[sflag:s8] =	ssyncset.s32 @!p0 $0xFFFFF086;
	s6 =	sadd.s32 @!p0 s3, s7;
	s7 =	simm.s32 @!p0 $0x108  }
0x21: {  	s3 =	sadd.s32 s3, s9;
	s6 =	sadd.s32 @!p0 $0x88, s6;
	s7 =	simm.s32 @p2 $0x1082  }
0x22: {  	[simem:s7], [sflag:s8] =	dma.local @!p0 [hbm:s6], $0xF7A  }
0x23: {  	s9 =	sor.u32 $0xD0000000, s2;
	s6 =	simm.s32 $0x108;
	_ =	swait.ge @!p0 [sflag:s8], $0x0  }
0x24: {  	s3 =	sadd.s32 $0x88, s3;
	s6 =	simm.s32 @!p1 $0x1082;
	[sflag:s4] =	ssyncset.s32 $0xFFFFF086  }
0x25: {  	[simem:s6], [sflag:s4] =	dma.local [hbm:s3], $0xF7A  }
0x26: {  	[smem:$0x3F9B] =	sst s1;
	(tag) =	ssettag s2;
	_ =	strace s9  }
0x27: {  	s1 =	sld [smem:$0x3FAB]  }
0x28: {  	s2 =	sld [smem:$0x3FAC]  }
0x29: {  	s4 =	sld [smem:$0x3FAE]  }
0x2a: {  	p0 =	seq.s32 s5, $0x0;
	s5 =	sld [smem:$0x3FAF]  }
0x2b: {  	s6 =	sld [smem:$0x3FB0]  }
0x2c: {  	s7 =	sld [smem:$0x3FB1]  }
0x2d: {  	s3 =	simm.s32 $0x108;
	s8 =	sld [smem:$0x3FB2]  }
0x2e: {  	s3 =	simm.s32 @!p0 $0x1082;
	s9 =	sld [smem:$0x3FB3]  }
0x2f: {  	lr =	sadd.s32 s0, s3;
	s0 =	sld [smem:$0x3FAA]  }
0x30: {  	s3 =	sld [smem:$0x3FAD]  }
0x31: {  	[smem:$0x3FB6] =	sst s10  }
0x32: {  	s10 =	sld [smem:$0x3FB4];
	_ =	sdelay $0x3  }
0x33: {  	p0 =	seq.s32 s10, $0x1;
	s10 =	sld [smem:$0x3FB6];
	_ =	sdelay $0x3  }
0x34: {  	[smem:$0x3FB6] =	sst s10  }
0x35: {  	s10 =	sld [smem:$0x3FB5];
	_ =	sdelay $0x3  }
0x36: {  	p1 =	seq.s32 s10, $0x1;
	s10 =	sld [smem:$0x3FB6];
	_ =	sdelay $0x3  }
0x37: {  	[smem:$0x3FB6] =	sst s10  }
0x38: {  	s10 =	sld [smem:$0x3FB7]  }
0x39: {  	_ = 	snop;
	(pc) =	sbr.ind lr, $3  }
0x3a: {  	_ = 	snop  }
0x3b: {  	_ = 	snop  }
0x3c: {  	p2 =	seq.s32 s10, $0x1;
	s10 =	sld [smem:$0x3FB6]  }
0x3d: {  	_ =	shalt  }
0x3e: {  	_ =	shalt  }
0x3f: {  	_ =	shalt  }
0x40: {  	_ =	shalt  }
0x41: {  	_ =	shalt  }
0x42: {  	_ =	shalt  }
0x43: {  	_ =	shalt  }
0x44: {  	_ =	shalt  }
0x45: {  	_ =	shalt  }
0x46: {  	_ =	shalt  }
0x47: {  	_ =	shalt  }
0x48: {  	_ =	shalt  }
0x49: {  	_ =	shalt  }
0x4a: {  	_ =	shalt  }
0x4b: {  	_ =	shalt  }
0x4c: {  	_ =	shalt  }
0x4d: {  	_ =	shalt  }
0x4e: {  	_ =	shalt  }
0x4f: {  	_ =	shalt  }
0x50: {  	_ =	shalt  }
0x51: {  	_ =	shalt  }
0x52: {  	_ =	shalt  }
0x53: {  	_ =	shalt  }
0x54: {  	_ =	shalt  }
0x55: {  	_ =	shalt  }
0x56: {  	_ =	shalt  }
0x57: {  	_ =	shalt  }
0x58: {  	_ =	shalt  }
0x59: {  	_ =	shalt  }
0x5a: {  	_ =	shalt  }
0x5b: {  	_ =	shalt  }
0x5c: {  	_ =	shalt  }
0x5d: {  	_ =	shalt  }
0x5e: {  	_ =	shalt  }
0x5f: {  	_ =	shalt  }
0x60: {  	_ =	shalt  }
0x61: {  	_ =	shalt  }
0x62: {  	_ =	shalt  }
0x63: {  	_ =	shalt  }
0x64: {  	_ =	shalt  }
0x65: {  	_ =	shalt  }
0x66: {  	_ =	shalt  }
0x67: {  	_ =	shalt  }
0x68: {  	_ =	shalt  }
0x69: {  	_ =	shalt  }
0x6a: {  	_ =	shalt  }
0x6b: {  	_ =	shalt  }
0x6c: {  	_ =	shalt  }
0x6d: {  	_ =	shalt  }
0x6e: {  	_ =	shalt  }
0x6f: {  	_ =	shalt  }
0x70: {  	_ =	shalt  }
0x71: {  	_ =	shalt  }
0x72: {  	_ =	shalt  }
0x73: {  	_ =	shalt  }
0x74: {  	_ =	shalt  }
0x75: {  	_ =	shalt  }
0x76: {  	_ =	shalt  }
0x77: {  	_ =	shalt  }
0x78: {  	_ =	shalt  }
0x79: {  	_ =	shalt  }
0x7a: {  	_ =	shalt  }
0x7b: {  	_ =	shalt  }
0x7c: {  	_ =	shalt  }
0x7d: {  	_ =	shalt  }
0x7e: {  	_ =	shalt  }
0x7f: {  	_ =	shalt  }
0x80: {  	_ =	shalt  }
0x81: {  	_ =	shalt  }
0x82: {  	_ =	shalt  }
0x83: {  	_ =	shalt  }
0x84: {  	_ =	shalt  }
0x85: {  	_ =	shalt  }
0x86: {  	_ =	shalt  }
0x87: {  	_ =	shalt  }
.Lfunc_end0:
.L_simem_size_0:
called_computation_lowered:
.L_overlay_start_0:
0x88: {  	s2 =	sld [smem:$0x3FD9]  }
0x89: {  	s3 =	sld [smem:$0x3FFE];
	_ =	sdelay $0x1  }
0x8a: {  	s1 =	srdreg.scid  }
0x8b: {  	s0 =	sand.u32 $0x1, s1  }
0x8c: {  	s17 =	sshll.u32 s0, $0xA;
	s2 =	sadd.s32 s3, s2  }
0x8d: {  	s2 =	sadd.s32 s2, s17  }
0x8e: {  	[smem:$0x3FC2] =	sst s2  }
0x8f: {  	_ = 	snop  }
0x90: {  	s2 =	sld [smem:$0x3FD0];
	(tm) =	ssettm $0x1  }
0x91: {  	s18 =	sld [smem:$0x3FFB];
	_ =	sdelay $0x3  }
0x92: {  	_ =	strace s18  }
0x93: {  	s3 =	sld [smem:$0x3FFC];
	_ =	sdelay $0x3  }
0x94: {  	_ =	strace s3  }
0x95: {  	s3 =	sld [smem:$0x3FFD];
	_ =	sdelay $0x3  }
0x96: {  	_ =	strace s3  }
0x97: {  	_ =	strace $0x8FFFFFFF  }
0x98: {  	s19 =	sld [smem:$0x3FDB];
	_ =	sdelay $0x1  }
0x99: {  	s4 =	simm.s32 $_scs_section_size  }
0x9a: {  	s5 =	simm.s32 $_size__tile_overlayer_lowered;
	s6 =	simm.s32 $_tile_overlayer_lowered  }
0x9b: {  	s22 =	simm.s32 $0x1BFF;
	s21 =	sshll.u32 s6, $0x1;
	s3 =	sadd.s32 s4, s19  }
0x9c: {  	s7 =	simm.s32 $0x0;
	s20 =	sshll.u32 s5, $0x1;
	s5 =	sadd.s32 s21, s3  }
0x9d: {  	[timem:s7], [sflag:s22] =	dma.local [hbm:s5], s20  }
0x9e: {  	_ =	swait.ge [sflag:s22], s20  }
0x9f: {  	s4 =	ssub.s32 $0x0, s20;
	[sflag:s22] =	ssyncset.done $0x0  }
0xa0: {  	[sflag:s22] =	ssyncadd.s32 s4;
	_ =	sdelay $0x1  }
0xa1: {  	s23 =	simm.s32 $0x1B8B  }
0xa2: {  	_ =	swait.ge [sflag:s23], $0x1  }
0xa3: {  	[sflag:s23] =	ssyncset.done $0x0  }
0xa4: {  	s25 =	simm.s32 $0x1B8E;
	s24 =	sld [smem:$0x3FFE];
	[sflag:s23] =	ssyncadd.s32 $0xFFFFFFFF  }
0xa5: {  	s26 =	simm.s32 $execute0_lowered;
	[smem:$0x3FD2] =	sst s25  }
0xa6: {  	s5 =	sshll.u32 s26, $0x1;
	_ =	strace $0x80000046;
	[dreg:$0x1] =	wrdreg $0xFFFFFFFF  }
0xa7: {  	s28 =	simm.s32 $_size_execute0_lowered;
	s3 =	sadd.s32 s3, s5;
	[dreg:$0x0] =	wrdreg $0x0  }
0xa8: {  	s5 =	sshll.u32 s28, $0x1;
	[dreg:$0x2] =	wrdreg s3  }
0xa9: {  	[dreg:$0x3] =	wrdreg s5  }
0xaa: {  	[dreg:$0x4] =	wrdreg $0xC0  }
0xab: {  	_ =	task [dreg:s7], $0x5FFFF  }
0xac: {  	[dreg:$0x1] =	wrdreg $0xFFFFFFFF  }
0xad: {  	[dreg:$0x0] =	wrdreg $0x60  }
0xae: {  	[dreg:$0x2] =	wrdreg s24  }
0xaf: {  	[dreg:$0x3] =	wrdreg s2  }
0xb0: {  	[dreg:$0x4] =	wrdreg $0x29000  }
0xb1: {  	[dreg:$0x5] =	wrdreg $0x9  }
0xb2: {  	_ =	task.clear_ibuf [dreg:s7], $0x6FFFF;
	_ =	strace $0x90000046  }
0xb3: {  	s29 =	simm.s32 $0x9;
	_ =	strace $0x80000048  }
0xb4: {  	_ =	swait.ge [sflag:s29], $0x1  }
0xb5: {  	[sflag:s29] =	ssyncadd.s32 $0xFFFFFFFF  }
0xb6: {  	_ =	strace $0x90000048  }
0xb7: {  	_ =	sfence  }
0xb8: {  	s30 =	sld [smem:$0x0];
	_ =	sdelay $0x2  }
0xb9: {  	s31 =	sshll.u32 s1, $0xD;
	s1 =	sshrl.u32 s1, $0x2  }
0xba: {  	s3 =	sand.u32 $0x4000, s31;
	s1 =	sadd.s32 s1, s30  }
0xbb: {  	s0 =	sor.u32 s3, s0;
	s1 =	sshll.u32 s1, $0x11  }
0xbc: {  	s0 =	sor.u32 s1, s0  }
0xbd: {  	s0 =	sadd.s32 $0x8F2B, s0  }
0xbe: {  	[sflag:s0] =	ssyncadd.remote.s32 $0x1  }
0xbf: {  	_ =	sfence.sel $0xFFFF  }
0xc0: {  	[dreg:$0x0] =	wrdreg $0xFFFFFFFF;
	(pc) =	sbr.abs _section_cstart, $3  }
0xc1: {  	[dreg:$0x1] =	wrdreg $0xFFFFFFFF  }
0xc2: {  	_ =	task.clear_ibuf [dreg:s7], $0x2FFFF;
	_ =	strace $0x9FFFFFFF  }
0xc3: {  	(tm) =	ssettm $0x7FFFFFFF  }
tec
execute0_lowered:
.L_overlay_start_1:
0x0: {  	(tag) =	ssettag $0x1  }
0x1: {  	s7 =	rddreg [dreg:$0x0]  }
0x2: {  	s1 =	rddreg [dreg:$0x1]  }
0x3: {  	s2 =	rddreg [dreg:$0x2]  }
0x4: {  	s3 =	srdreg.scid;
	s0 =	rddreg [dreg:$0x3]  }
0x5: {  	s4 =	simm.s32 $0x0;
	s15 =	simm.s32 $0x100;
	s8 =	sand.u32 $0x1, s3  }
0x6: {  	s16 =	simm.s32 $0x80;
	s3 =	stileid.u32;
	s6 =	smul.u32 $0x140000, s8  }
0x7: {  	s17 =	simm.s32 $0x1;
	s18 =	simm.s32 $0x50;
	s9 =	smul.u32 $0x14000, s3  }
0x8: {  	s19 =	simm.s32 $0x2;
	[smem:$0x7FF] =	sst s4;
	s11 =	smul.u32 $0x50000, s3  }
0x9: {  	s5 =	sshll.u32 s8, $0x4;
	s28 =	ssub.s32 $0x2, s8;
	s8 =	smul.u32 $0x27100, s8  }
0xa: {  	s20 =	simm.s32 $0x0;
	_ =	strace $0x80000047;
	s13 =	smul.u32 $0x2710, s3  }
0xb: {  	s29 =	sshll.u32 s3, $0x6;
	s10 =	sor.u32 s3, s5;
	s5 =	sadd.s32 $0x1E00, s7  }
0xc: {  	s12 =	sshrl.u32 s28, $0x1;
	s9 =	sadd.s32 s9, s6;
	s10 =	smul.u32 $0x2710, s10  }
0xd: {  	s6 =	sadd.s32 $0xBC00, s7;
	s11 =	sshrl.u32 s11, $0x2;
	s12 =	ssub.s32 s28, s12  }
0xe: {  	s30 =	sadd.s32 s13, s8;
	s9 =	sshrl.u32 s9, $0x3;
	s14 =	sadd.s32 s11, s2  }
0xf: {  	s13 =	sadd.s32 $0x50, s30;
	s11 =	sadd.s32 $0xA0, s30;
	s9 =	sadd.s32 s9, s7  }
0x10: {  	s7 =	sor.u32 $0x1C03, s29;
	s10 =	sshrl.u32 s10, $0x3;
	s31 =	sshrl.u32 s13, $0x3  }
0x11: {  	s13 =	sshrl.u32 s14, $0x3;
	s14 =	simm.s32 $0x3;
	s8 =	sadd.s32 s5, s10  }
0x12: {  	s9 =	sadd.s32 $0xE400, s9;
	s10 =	smax.u32 s12, $0x1;
	s12 =	sadd.s32 s31, s5  }
.LBB2_1:
0x13: {  	[spmem:s13], [sflag:s7] =	dma.local [hbm:s6], $0x2800  }
0x14: {  	_ =	swait.ge [sflag:s14], $0x2800  }
0x15: {  	[sflag:s14] =	ssyncset.done $0x0  }
0x16: {  	[sflag:s14] =	ssyncadd.s32 $0xFFFFD800  }
0x17: {  	[tilespmem:s15], [sflag:$0x3] =	stream.linear.gather [hbm4b:s1+s4], $0x2800, $0x38;
	[tilespmem:$0x16900] =	vst v63  }
0x18: {  	_ =	swait.ge [sflag:s14], $0x2800  }
0x19: {  	[sflag:s14] =	ssyncset.done $0x0  }
0x1a: {  	[sflag:s14] =	ssyncadd.s32 $0xFFFFD800  }
0x1b: {  	[bflag:$0x0] =	sbarrier.arrive $0xFFFF  }
0x1c: {  	[tilespmem:s4], [sflag:$0x1] =	stream.linear.gather [hbm4b:s8+s4], $0x50, $0x38;
	[tilespmem:$0x16900] =	vst v63  }
0x1d: {  	s21 =	sadd.s32 $0x0, s12  }
0x1e: {  	[tilespmem:s16], [sflag:$0x2] =	stream.linear.gather [hbm4b:s21+s4], $0x50, $0x38;
	[tilespmem:$0x16900] =	vst v63  }
0x1f: {  	_ =	swait.ge [sflag:s17], $0x50  }
0x20: {  	[sflag:s17] =	ssyncset.done $0x0  }
0x21: {  	[sflag:s17] =	ssyncadd.s32 $0xFFFFFFB0  }
0x22: {  	[spmem:s2] =	stream.indirect.scatter.add.f32 [tilespmem:s15], [sflag:$0x3], $0x80, s4, s18, $0xb8;
	[tilespmem:$0x16900] =	vst v63  }
0x23: {  	_ =	swait.ge [sflag:s14], $0x2800  }
0x24: {  	s31 =	sshrl.u32 s11, $0x3;
	[sflag:s14] =	ssyncset.done $0x0  }
0x25: {  	s21 =	sadd.s32 s5, s31;
	[sflag:s14] =	ssyncadd.s32 $0xFFFFD800  }
0x26: {  	[tilespmem:s4], [sflag:$0x1] =	stream.linear.gather [hbm4b:s21+s4], $0x50, $0x38;
	[tilespmem:$0x16900] =	vst v63  }
0x27: {  	_ =	swait.ge [sflag:s19], $0x50  }
0x28: {  	[sflag:s19] =	ssyncset.done $0x0  }
0x29: {  	[sflag:s19] =	ssyncadd.s32 $0xFFFFFFB0  }
0x2a: {  	[spmem:s2] =	stream.indirect.scatter.add.f32 [tilespmem:s15], [sflag:$0x3], $0x80, s16, s18, $0xb8;
	[tilespmem:$0x16900] =	vst v63  }
0x2b: {  	s22 =	simm.s32 $0x14;
	_ =	swait.ge [sflag:s14], $0x2800  }
0x2c: {  	s23 =	simm.s32 $0x28;
	s21 =	sadd.s32 $0xA0, s11;
	[sflag:s14] =	ssyncset.done $0x0  }
.LBB2_2:
0x2d: {  	s24 =	sadd.s32 s22, s12  }
0x2e: {  	[sflag:s14] =	ssyncadd.s32 $0xFFFFD800;
	s22 =	smov.u32 s23;
	s25 =	sadd.s32 $0x14, s23  }
0x2f: {  	[tilespmem:s16], [sflag:$0x2] =	stream.linear.gather [hbm4b:s24+s4], $0x50, $0x38;
	[tilespmem:$0x16900] =	vst v63  }
0x30: {  	p0 =	sne.s32 s23, $0x4C4;
	_ =	swait.ge [sflag:s17], $0x50  }
0x31: {  	[sflag:s17] =	ssyncset.done $0x0  }
0x32: {  	[sflag:s17] =	ssyncadd.s32 $0xFFFFFFB0  }
0x33: {  	[spmem:s2] =	stream.indirect.scatter.add.f32 [tilespmem:s15], [sflag:$0x3], $0x80, s4, s18, $0xb8;
	[tilespmem:$0x16900] =	vst v63  }
0x34: {  	_ =	swait.ge [sflag:s14], $0x2800  }
0x35: {  	s23 =	sshrl.u32 s21, $0x3;
	[sflag:s14] =	ssyncset.done $0x0  }
0x36: {  	s23 =	sadd.s32 s5, s23;
	[sflag:s14] =	ssyncadd.s32 $0xFFFFD800  }
0x37: {  	[tilespmem:s4], [sflag:$0x1] =	stream.linear.gather [hbm4b:s23+s4], $0x50, $0x38;
	[tilespmem:$0x16900] =	vst v63  }
0x38: {  	_ =	swait.ge [sflag:s19], $0x50  }
.Ltmp0:
0x39: {  	[sflag:s19] =	ssyncset.done $0x0;
	(pc) =	sbr.rel @p0 .LBB2_2-.Ltmp0, $4  }
0x3a: {  	[sflag:s19] =	ssyncadd.s32 $0xFFFFFFB0  }
0x3b: {  	[spmem:s2] =	stream.indirect.scatter.add.f32 [tilespmem:s15], [sflag:$0x3], $0x80, s16, s18, $0xb8;
	[tilespmem:$0x16900] =	vst v63  }
0x3c: {  	_ =	swait.ge [sflag:s14], $0x2800  }
0x3d: {  	s21 =	sadd.s32 $0xA0, s21;
	s23 =	smov.u32 s25;
	[sflag:s14] =	ssyncset.done $0x0  }
0x3e: {  	s22 =	sadd.s32 s22, s12;
	[sflag:s14] =	ssyncadd.s32 $0xFFFFD800  }
0x3f: {  	[tilespmem:s16], [sflag:$0x2] =	stream.linear.gather [hbm4b:s22+s4], $0x50, $0x38;
	[tilespmem:$0x16900] =	vst v63  }
0x40: {  	_ =	swait.ge [sflag:s17], $0x50  }
0x41: {  	[sflag:s17] =	ssyncset.done $0x0  }
0x42: {  	[sflag:s17] =	ssyncadd.s32 $0xFFFFFFB0  }
0x43: {  	[spmem:s2] =	stream.indirect.scatter.add.f32 [tilespmem:s15], [sflag:$0x3], $0x80, s4, s18, $0xb8;
	[tilespmem:$0x16900] =	vst v63  }
0x44: {  	_ =	swait.ge [sflag:s14], $0x2800  }
0x45: {  	s21 =	sshrl.u32 s21, $0x3;
	[sflag:s14] =	ssyncset.done $0x0  }
0x46: {  	s21 =	sadd.s32 s5, s21;
	[sflag:s14] =	ssyncadd.s32 $0xFFFFD800  }
0x47: {  	[tilespmem:s4], [sflag:$0x1] =	stream.linear.gather [hbm4b:s21+s4], $0x50, $0x38;
	[tilespmem:$0x16900] =	vst v63  }
0x48: {  	_ =	swait.ge [sflag:s19], $0x50  }
0x49: {  	[sflag:s19] =	ssyncset.done $0x0  }
0x4a: {  	[sflag:s19] =	ssyncadd.s32 $0xFFFFFFB0  }
0x4b: {  	[spmem:s2] =	stream.indirect.scatter.add.f32 [tilespmem:s15], [sflag:$0x3], $0x80, s16, s18, $0xb8;
	[tilespmem:$0x16900] =	vst v63  }
0x4c: {  	_ =	swait.ge [sflag:s14], $0x2800  }
0x4d: {  	[sflag:s14] =	ssyncset.done $0x0  }
0x4e: {  	[sflag:s14] =	ssyncadd.s32 $0xFFFFD800  }
0x4f: {  	_ =	swait.ge [sflag:s17], $0x50  }
0x50: {  	[sflag:s17] =	ssyncset.done $0x0  }
0x51: {  	[sflag:s17] =	ssyncadd.s32 $0xFFFFFFB0  }
0x52: {  	[spmem:s2] =	stream.indirect.scatter.add.f32 [tilespmem:s15], [sflag:$0x3], $0x80, s4, s18, $0xb8;
	[tilespmem:$0x16900] =	vst v63  }
0x53: {  	_ =	swait.ge [sflag:s14], $0x2800  }
0x54: {  	s20 =	sadd.s32 $0x1, s20;
	[sflag:s14] =	ssyncset.done $0x0  }
0x55: {  	p0 =	sne.s32 s20, s10;
	[sflag:s14] =	ssyncadd.s32 $0xFFFFD800  }
.Ltmp1:
0x56: {  	[bflag:$0x0] =	sbarrier.arrive $0xFFFF;
	(pc) =	sbr.rel @p0 .LBB2_1-.Ltmp1, $4  }
0x57: {  	[hbm:s9], [sflag:s7] =	dma.local [spmem:s13], $0x2800  }
0x58: {  	_ =	swait.ge [sflag:s14], $0x2800  }
0x59: {  	[sflag:s14] =	ssyncset.done $0x0  }
0x5a: {  	[sflag:s14] =	ssyncadd.s32 $0xFFFFD800  }
0x5b: {  	_ =	sfence.sel $0x180000  }
0x5c: {  	[bflag:$0x0] =	sbarrier.arrive $0xFFFF  }
0x5d: {  	p0 =	sne.s32 s3, $0x0;
	_ =	strace $0x90000047  }
0x5e: {  	s0 =	sadd.s32 @!p0 $0x100000, s0;
	[bflag:$0x2] =	sbarrier.arrive $0xFFFF  }
0x5f: {  	[sflag:s0] =	ssyncadd.tile.s32 @!p0 $0x1;
	_ =	shalt  }
.Lfunc_end2:
_tile_overlayer_lowered:
.L_overlay_start_2:
0x60: {  	(tag) =	ssettag $0x2  }
0x61: {  	s0 =	rddreg [dreg:$0x0];
	s2 =	stileid.u32  }
0x62: {  	s1 =	rddreg [dreg:$0x1];
	p0 =	sne.s32 s2, $0x0  }
0x63: {  	s3 =	rddreg [dreg:$0x2];
	[bflag:$0x3] =	sbarrier.arrive $0xFFFF;
	s2 =	simm.s32 @!p0 $0x1C03  }
0x64: {  	[timem:s3], [sflag:s2] =	dma.local @!p0 [hbm:s0], s1  }
0x65: {  	s0 =	simm.s32 @!p0 $0x3  }
0x66: {  	_ =	swait.ge @!p0 [sflag:s0], s1  }
0x67: {  	s1 =	ssub.s32 @!p0 $0x0, s1;
	[sflag:s0] =	ssyncset.done @!p0 $0x0  }
0x68: {  	[sflag:s0] =	ssyncadd.s32 @!p0 s1  }
0x69: {  	[bflag:$0x3] =	sbarrier.arrive $0xFFFF  }
0x6a: {  	_ =	shalt  }

</sc_bundles>
